<compile_context>
chip_gen: v7x
topology: tpu7x:2x2x1
jax: 0.10.2.dev20260603
libtpu: 0.0.44.dev20260713+nightly
codegen_flags: <defaults>
</compile_context>

<pallas_src>
import functools

import jax
import jax.numpy as jnp
from jax import lax
from jax.experimental import pallas as pl
from jax.experimental.pallas import tpu as pltpu
from jax.experimental.pallas import tpu_sc as plsc

_B, _T, _D, _K = 32, 576, 256, 8192
_M = _B * _T
_VQ_COEF = 1.0
_COMIT_COEF = 0.25

_MB = 1024
_MT = _M // _MB
_KC = 256
_NKC = _K // _KC


def _vq_dist_body(z_ref, cb_ref, idx_ref, dmin_ref, csum_ref, rm_ref, rj_ref):
    i = pl.program_id(0)

    @pl.when(i == 0)
    def _():
        def fill(j, _):
            c = cb_ref[pl.ds(j * _KC, _KC), :]
            csum_ref[0, pl.ds(j * _KC, _KC)] = jnp.sum(c * c, axis=1)
            return 0
        lax.fori_loop(0, _NKC, fill, 0)

    z = z_ref[...]
    zs = jnp.sum(z * z, axis=1, keepdims=True)
    z2 = z + z

    rm_ref[...] = jnp.full((_MB, _KC), jnp.inf, dtype=jnp.float32)
    rj_ref[...] = jnp.zeros((_MB, _KC), dtype=jnp.int8)

    def dist_chunk(j):
        c = cb_ref[pl.ds(j * _KC, _KC), :]
        m2 = lax.dot_general(z2, c, (((1,), (1,)), ((), ())),
                             preferred_element_type=jnp.float32)
        cs = csum_ref[0, pl.ds(j * _KC, _KC)]
        return (zs - m2) + cs[None, :]

    for j in range(_NKC):
        d = dist_chunk(j)
        rm = rm_ref[...]
        take = d < rm
        rm_ref[...] = jnp.minimum(rm, d)
        rj_ref[...] = jnp.where(take, jnp.int8(j), rj_ref[...])

    rm = rm_ref[...]
    mv = jnp.min(rm, axis=1, keepdims=True)
    lane = lax.broadcasted_iota(jnp.int32, (_MB, _KC), 1)
    gidx = rj_ref[...].astype(jnp.int32) * _KC + lane
    mi = jnp.min(jnp.where(rm == mv, gidx, _K), axis=1, keepdims=True)
    idx_ref[0] = mi
    dmin_ref[0] = mv


def _vq_distances(zf, codebook):
    mt = zf.shape[0] // _MB
    return pl.pallas_call(
        _vq_dist_body,
        grid=(mt,),
        in_specs=[
            pl.BlockSpec((_MB, _D), lambda i: (i, 0)),
            pl.BlockSpec((_K, _D), lambda i: (0, 0)),
        ],
        out_specs=[
            pl.BlockSpec((1, _MB, 1), lambda i: (i, 0, 0)),
            pl.BlockSpec((1, _MB, 1), lambda i: (i, 0, 0)),
        ],
        out_shape=[
            jax.ShapeDtypeStruct((mt, _MB, 1), jnp.int32),
            jax.ShapeDtypeStruct((mt, _MB, 1), jnp.float32),
        ],
        scratch_shapes=[pltpu.VMEM((1, _K), jnp.float32),
                        pltpu.VMEM((_MB, _KC), jnp.float32),
                        pltpu.VMEM((_MB, _KC), jnp.int8)],
        compiler_params=pltpu.CompilerParams(
            dimension_semantics=("arbitrary",)),
    )(zf, codebook)


_NW = 32
_CH = 96


def _gather_rows(codebook, idx):
    rows = idx.shape[0]
    rows_per_w = rows // _NW
    nch = rows_per_w // _CH
    num_cores = plsc.get_sparse_core_info().num_cores
    mesh = plsc.VectorSubcoreMesh(core_axis_name="c", subcore_axis_name="s")
    idx3 = idx.reshape(_NW, nch, _CH)

    @functools.partial(
        pl.kernel, mesh=mesh,
        out_type=jax.ShapeDtypeStruct((rows, _D), jnp.float32),
        scratch_types=[
            pltpu.VMEM((nch, _CH), jnp.int32),
            pltpu.VMEM((3, _CH, _D), jnp.float32),
            pltpu.SemaphoreType.DMA,
            pltpu.SemaphoreType.DMA,
            pltpu.SemaphoreType.DMA,
            pltpu.SemaphoreType.DMA,
            pltpu.SemaphoreType.DMA,
            pltpu.SemaphoreType.DMA,
        ],
    )
    def gk(cb_hbm, idx_hbm, out_hbm, idx_v, rows_v,
           g0, g1, g2, s0, s1, s2):
        wid = lax.axis_index("s") * num_cores + lax.axis_index("c")
        base = wid * rows_per_w
        pltpu.sync_copy(idx_hbm.at[wid], idx_v)
        gs, ss = (g0, g1, g2), (s0, s1, s2)
        cps = [None, None, None]
        sts = [None, None, None]
        for p in range(min(2, nch)):
            cps[p] = pltpu.async_copy(cb_hbm.at[idx_v.at[p]],
                                      rows_v.at[p], gs[p])
        for c in range(nch):
            b = c % 3
            cps[b].wait()
            n = c + 2
            if n < nch:
                bn = n % 3
                if sts[bn] is not None:
                    sts[bn].wait()
                cps[bn] = pltpu.async_copy(cb_hbm.at[idx_v.at[n]],
                                           rows_v.at[bn], gs[bn])
            sts[b] = pltpu.async_copy(rows_v.at[b],
                                      out_hbm.at[pl.ds(base + c * _CH, _CH)],
                                      ss[b])
        for b in range(3):
            if sts[b] is not None:
                sts[b].wait()

    return gk(codebook, idx3)


def kernel(z, codebook):
    zf = z.reshape(_M, _D)
    idx3, dmin3 = _vq_distances(zf, codebook)
    idx = idx3.reshape(_M)
    zq = _gather_rows(codebook, idx).reshape(z.shape)
    loss = (_VQ_COEF + _COMIT_COEF) * (jnp.sum(dmin3) / (_M * _D))
    return zq, loss, idx.reshape(_B, _T)

# --- scband reference (transcript-rebuilt; emitter-appended) ---
"""Pipeline reference for scband-vq-vae-base-87041807220998 (READ-ONLY COPY).

The authoritative reference and input builder live on the scoring server;
editing this copy changes nothing except your own understanding.
"""

import jax, jax.numpy as jnp
import numpy as np

B, T, D, K = 32, 576, 256, 8192
VQ_COEF = 1.0
COMIT_COEF = 0.25

def setup_inputs(seed: int = 0) -> dict:
    key = jax.random.key(seed)
    k1, k2 = jax.random.split(key)
    z = jax.random.normal(k1, (B, T, D), dtype=jnp.float32)
    codebook = jax.random.normal(k2, (K, D), dtype=jnp.float32) * 0.02
    return {"z": z, "codebook": codebook}

def reference(z, codebook):
    # Faithful VQ-VAE quantization (nearest-neighbor codebook lookup,
    # straight-through estimator, vq + commitment losses), matching the
    # quantize_embedding / vq_coef / comit_coef structure of VQ_VAE_Base.
    zf = z.reshape(-1, D)
    # squared L2 distances via expansion: |z|^2 - 2 z.e + |e|^2
    d = (jnp.sum(zf * zf, axis=1, keepdims=True)
         - 2.0 * (zf @ codebook.T)
         + jnp.sum(codebook * codebook, axis=1)[None, :])
    idx = jnp.argmin(d, axis=1)
    zq = jnp.take(codebook, idx, axis=0).reshape(z.shape)
    vq_loss = jnp.mean((zq - jax.lax.stop_gradient(z)) ** 2)
    commit_loss = jnp.mean((jax.lax.stop_gradient(zq) - z) ** 2)
    loss = VQ_COEF * vq_loss + COMIT_COEF * commit_loss
    zq_st = z + jax.lax.stop_gradient(zq - z)
    return zq_st, loss, idx.reshape(B, T)

if __name__ == "__main__":
    import jax
    _d = setup_inputs()
    print(jax.jit(kernel)(*tuple(_d.values())))

</pallas_src>

<mosaic_0001>
#map = affine_map<(d0, d1) -> (0, 0)>
#map1 = affine_map<(d0, d1) -> (0, 0, 0)>
module attributes {stable_mosaic.version = 14 : i64} {
  func.func @gk(%arg0: i32, %arg1: i32, %arg2: memref<8192x256xf32, #tpu.memory_space<hbm>>, %arg3: memref<32x6x96xi32, #tpu.memory_space<hbm>>, %arg4: memref<18432x256xf32, #tpu.memory_space<hbm>>, %arg5: memref<6x96xi32, #tpu.memory_space<vmem>>, %arg6: memref<3x96x256xf32, #tpu.memory_space<vmem>>, %arg7: memref<!tpu.dma_semaphore, #tpu.memory_space<semaphore_mem>>, %arg8: memref<!tpu.dma_semaphore, #tpu.memory_space<semaphore_mem>>, %arg9: memref<!tpu.dma_semaphore, #tpu.memory_space<semaphore_mem>>, %arg10: memref<!tpu.dma_semaphore, #tpu.memory_space<semaphore_mem>>, %arg11: memref<!tpu.dma_semaphore, #tpu.memory_space<semaphore_mem>>, %arg12: memref<!tpu.dma_semaphore, #tpu.memory_space<semaphore_mem>>) attributes {dimension_semantics = [#tpu.dimension_semantics<core_parallel>, #tpu.dimension_semantics<subcore_parallel>], iteration_bounds = array<i64: 2, 16>, scalar_prefetch = 0 : i64, scratch_operands = 8 : i64, tpu.core_type = #tpu.core_type<sc_vector_subcore>, window_params = [{transform_indices = #map}, {transform_indices = #map1}, {transform_indices = #map}]} {
    %mul3A = arith.constant 2 : i32
    %mul3A_0 = arith.muli %arg1, %mul3A : i32
    %add3A = arith.addi %mul3A_0, %arg0 : i32
    %mul3A_1 = arith.constant 576 : i32
    %mul3A_2 = arith.muli %add3A, %mul3A_1 : i32
    "tpu.region"() ({
      %run_scoped3A = tpu.sem_alloc : memref<!tpu.dma_semaphore, #tpu.memory_space<semaphore_mem>>
      %dma_start3A_313 = arith.constant 0 : i32
      %dma_start3A_314 = arith.constant 0 : i32
      %dma_start3A_315 = tpu.memref_slice %arg3[%add3A, %dma_start3A_313, %dma_start3A_314] : memref<32x6x96xi32, #tpu.memory_space<hbm>> -> memref<1x6x96xi32, #tpu.memory_space<hbm>>
      %dma_start3A_316 = tpu.memref_squeeze %dma_start3A_315 : memref<1x6x96xi32, #tpu.memory_space<hbm>> -> memref<6x96xi32, #tpu.memory_space<hbm>>
      %dma_start3A_317 = arith.constant 0 : i32
      %dma_start3A_318 = arith.constant 0 : i32
      %dma_start3A_319 = tpu.memref_slice %arg3[%add3A, %dma_start3A_317, %dma_start3A_318] : memref<32x6x96xi32, #tpu.memory_space<hbm>> -> memref<1x6x96xi32, #tpu.memory_space<hbm>>
      %dma_start3A_320 = tpu.memref_squeeze %dma_start3A_319 : memref<1x6x96xi32, #tpu.memory_space<hbm>> -> memref<6x96xi32, #tpu.memory_space<hbm>>
      tpu.enqueue_dma source(%dma_start3A_320 : memref<6x96xi32, #tpu.memory_space<hbm>>) target(%arg5 : memref<6x96xi32, #tpu.memory_space<vmem>>) target_semaphore(%run_scoped3A : memref<!tpu.dma_semaphore, #tpu.memory_space<semaphore_mem>>)
      %dma_wait3A_321 = arith.constant 0 : i32
      %dma_wait3A_322 = arith.constant 0 : i32
      %dma_wait3A_323 = tpu.memref_slice %arg3[%add3A, %dma_wait3A_321, %dma_wait3A_322] : memref<32x6x96xi32, #tpu.memory_space<hbm>> -> memref<1x6x96xi32, #tpu.memory_space<hbm>>
      %dma_wait3A_324 = tpu.memref_squeeze %dma_wait3A_323 : memref<1x6x96xi32, #tpu.memory_space<hbm>> -> memref<6x96xi32, #tpu.memory_space<hbm>>
      %dma_wait3A_325 = arith.constant 0 : i32
      %dma_wait3A_326 = arith.constant 0 : i32
      %dma_wait3A_327 = tpu.memref_slice %arg3[%add3A, %dma_wait3A_325, %dma_wait3A_326] : memref<32x6x96xi32, #tpu.memory_space<hbm>> -> memref<1x6x96xi32, #tpu.memory_space<hbm>>
      %dma_wait3A_328 = tpu.memref_squeeze %dma_wait3A_327 : memref<1x6x96xi32, #tpu.memory_space<hbm>> -> memref<6x96xi32, #tpu.memory_space<hbm>>
      tpu.wait_dma2 semaphore(%run_scoped3A : memref<!tpu.dma_semaphore, #tpu.memory_space<semaphore_mem>>) src(%dma_wait3A_328 : memref<6x96xi32, #tpu.memory_space<hbm>>) dst(%arg5 : memref<6x96xi32, #tpu.memory_space<vmem>>)
      tpu.yield
    }) : () -> ()
    %dma_start3A = arith.constant 0 : i32
    %dma_start3A_3 = arith.constant 0 : i32
    %dma_start3A_4 = arith.constant 0 : i32
    %dma_start3A_5 = arith.constant 0 : i32
    %dma_start3A_6 = tpu.memref_slice %arg6[%dma_start3A_3, %dma_start3A_4, %dma_start3A_5] : memref<3x96x256xf32, #tpu.memory_space<vmem>> -> memref<1x96x256xf32, #tpu.memory_space<vmem>>
    %dma_start3A_7 = tpu.memref_squeeze %dma_start3A_6 : memref<1x96x256xf32, #tpu.memory_space<vmem>> -> memref<96x256xf32, #tpu.memory_space<vmem>>
    %dma_start3A_8 = arith.constant 0 : i32
    %dma_start3A_9 = tpu.memref_slice %arg5[%dma_start3A, %dma_start3A_8] : memref<6x96xi32, #tpu.memory_space<vmem>> -> memref<1x96xi32, #tpu.memory_space<vmem>>
    %dma_start3A_10 = tpu.memref_squeeze %dma_start3A_9 : memref<1x96xi32, #tpu.memory_space<vmem>> -> memref<96xi32, #tpu.memory_space<vmem>>
    %dma_start3A_11 = arith.constant 0 : i32
    %dma_start3A_12 = arith.constant 0 : i32
    %dma_start3A_13 = tpu.memref_slice %arg2[%dma_start3A_11, %dma_start3A_12] : memref<8192x256xf32, #tpu.memory_space<hbm>> -> memref<8192x256xf32, #tpu.memory_space<hbm>>
    tpu.enqueue_indirect_dma source(%dma_start3A_13 : memref<8192x256xf32, #tpu.memory_space<hbm>>) target(%dma_start3A_7 : memref<96x256xf32, #tpu.memory_space<vmem>>) offsets(%dma_start3A_10 : memref<96xi32, #tpu.memory_space<vmem>>) semaphore(%arg7 : memref<!tpu.dma_semaphore, #tpu.memory_space<semaphore_mem>>)
    %dma_start3A_14 = arith.constant 1 : i32
    %dma_start3A_15 = arith.constant 1 : i32
    %dma_start3A_16 = arith.constant 0 : i32
    %dma_start3A_17 = arith.constant 0 : i32
    %dma_start3A_18 = tpu.memref_slice %arg6[%dma_start3A_15, %dma_start3A_16, %dma_start3A_17] : memref<3x96x256xf32, #tpu.memory_space<vmem>> -> memref<1x96x256xf32, #tpu.memory_space<vmem>>
    %dma_start3A_19 = tpu.memref_squeeze %dma_start3A_18 : memref<1x96x256xf32, #tpu.memory_space<vmem>> -> memref<96x256xf32, #tpu.memory_space<vmem>>
    %dma_start3A_20 = arith.constant 0 : i32
    %dma_start3A_21 = tpu.memref_slice %arg5[%dma_start3A_14, %dma_start3A_20] : memref<6x96xi32, #tpu.memory_space<vmem>> -> memref<1x96xi32, #tpu.memory_space<vmem>>
    %dma_start3A_22 = tpu.memref_squeeze %dma_start3A_21 : memref<1x96xi32, #tpu.memory_space<vmem>> -> memref<96xi32, #tpu.memory_space<vmem>>
    %dma_start3A_23 = arith.constant 0 : i32
    %dma_start3A_24 = arith.constant 0 : i32
    %dma_start3A_25 = tpu.memref_slice %arg2[%dma_start3A_23, %dma_start3A_24] : memref<8192x256xf32, #tpu.memory_space<hbm>> -> memref<8192x256xf32, #tpu.memory_space<hbm>>
    tpu.enqueue_indirect_dma source(%dma_start3A_25 : memref<8192x256xf32, #tpu.memory_space<hbm>>) target(%dma_start3A_19 : memref<96x256xf32, #tpu.memory_space<vmem>>) offsets(%dma_start3A_22 : memref<96xi32, #tpu.memory_space<vmem>>) semaphore(%arg8 : memref<!tpu.dma_semaphore, #tpu.memory_space<semaphore_mem>>)
    %dma_wait3A = arith.constant 0 : i32
    %dma_wait3A_26 = arith.constant 0 : i32
    %dma_wait3A_27 = arith.constant 0 : i32
    %dma_wait3A_28 = arith.constant 0 : i32
    %dma_wait3A_29 = tpu.memref_slice %arg6[%dma_wait3A_26, %dma_wait3A_27, %dma_wait3A_28] : memref<3x96x256xf32, #tpu.memory_space<vmem>> -> memref<1x96x256xf32, #tpu.memory_space<vmem>>
    %dma_wait3A_30 = tpu.memref_squeeze %dma_wait3A_29 : memref<1x96x256xf32, #tpu.memory_space<vmem>> -> memref<96x256xf32, #tpu.memory_space<vmem>>
    %dma_wait3A_31 = arith.constant 0 : i32
    %dma_wait3A_32 = tpu.memref_slice %arg5[%dma_wait3A, %dma_wait3A_31] : memref<6x96xi32, #tpu.memory_space<vmem>> -> memref<1x96xi32, #tpu.memory_space<vmem>>
    %dma_wait3A_33 = tpu.memref_squeeze %dma_wait3A_32 : memref<1x96xi32, #tpu.memory_space<vmem>> -> memref<96xi32, #tpu.memory_space<vmem>>
    %dma_wait3A_34 = arith.constant 0 : i32
    %dma_wait3A_35 = arith.constant 0 : i32
    %dma_wait3A_36 = tpu.memref_slice %arg2[%dma_wait3A_34, %dma_wait3A_35] : memref<8192x256xf32, #tpu.memory_space<hbm>> -> memref<8192x256xf32, #tpu.memory_space<hbm>>
    tpu.wait_indirect_dma semaphore(%arg7 : memref<!tpu.dma_semaphore, #tpu.memory_space<semaphore_mem>>) src(%dma_wait3A_36 : memref<8192x256xf32, #tpu.memory_space<hbm>>) dst(%dma_wait3A_30 : memref<96x256xf32, #tpu.memory_space<vmem>>)
    %dma_start3A_37 = arith.constant 2 : i32
    %dma_start3A_38 = arith.constant 2 : i32
    %dma_start3A_39 = arith.constant 0 : i32
    %dma_start3A_40 = arith.constant 0 : i32
    %dma_start3A_41 = tpu.memref_slice %arg6[%dma_start3A_38, %dma_start3A_39, %dma_start3A_40] : memref<3x96x256xf32, #tpu.memory_space<vmem>> -> memref<1x96x256xf32, #tpu.memory_space<vmem>>
    %dma_start3A_42 = tpu.memref_squeeze %dma_start3A_41 : memref<1x96x256xf32, #tpu.memory_space<vmem>> -> memref<96x256xf32, #tpu.memory_space<vmem>>
    %dma_start3A_43 = arith.constant 0 : i32
    %dma_start3A_44 = tpu.memref_slice %arg5[%dma_start3A_37, %dma_start3A_43] : memref<6x96xi32, #tpu.memory_space<vmem>> -> memref<1x96xi32, #tpu.memory_space<vmem>>
    %dma_start3A_45 = tpu.memref_squeeze %dma_start3A_44 : memref<1x96xi32, #tpu.memory_space<vmem>> -> memref<96xi32, #tpu.memory_space<vmem>>
    %dma_start3A_46 = arith.constant 0 : i32
    %dma_start3A_47 = arith.constant 0 : i32
    %dma_start3A_48 = tpu.memref_slice %arg2[%dma_start3A_46, %dma_start3A_47] : memref<8192x256xf32, #tpu.memory_space<hbm>> -> memref<8192x256xf32, #tpu.memory_space<hbm>>
    tpu.enqueue_indirect_dma source(%dma_start3A_48 : memref<8192x256xf32, #tpu.memory_space<hbm>>) target(%dma_start3A_42 : memref<96x256xf32, #tpu.memory_space<vmem>>) offsets(%dma_start3A_45 : memref<96xi32, #tpu.memory_space<vmem>>) semaphore(%arg9 : memref<!tpu.dma_semaphore, #tpu.memory_space<semaphore_mem>>)
    %add3A_49 = arith.constant 0 : i32
    %add3A_50 = arith.addi %mul3A_2, %add3A_49 : i32
    %dma_start3A_51 = arith.constant 0 : i32
    %dma_start3A_52 = arith.constant 0 : i32
    %dma_start3A_53 = arith.constant 0 : i32
    %dma_start3A_54 = tpu.memref_slice %arg6[%dma_start3A_51, %dma_start3A_52, %dma_start3A_53] : memref<3x96x256xf32, #tpu.memory_space<vmem>> -> memref<1x96x256xf32, #tpu.memory_space<vmem>>
    %dma_start3A_55 = tpu.memref_squeeze %dma_start3A_54 : memref<1x96x256xf32, #tpu.memory_space<vmem>> -> memref<96x256xf32, #tpu.memory_space<vmem>>
    %dma_start3A_56 = arith.constant 0 : i32
    %dma_start3A_57 = tpu.memref_slice %arg4[%add3A_50, %dma_start3A_56] : memref<18432x256xf32, #tpu.memory_space<hbm>> -> memref<96x256xf32, #tpu.memory_space<hbm>>
    %dma_start3A_58 = arith.constant 0 : i32
    %dma_start3A_59 = tpu.memref_slice %arg4[%add3A_50, %dma_start3A_58] : memref<18432x256xf32, #tpu.memory_space<hbm>> -> memref<96x256xf32, #tpu.memory_space<hbm>>
    %dma_start3A_60 = arith.constant 0 : i32
    %dma_start3A_61 = arith.constant 0 : i32
    %dma_start3A_62 = tpu.memref_slice %arg6[%dma_start3A_51, %dma_start3A_60, %dma_start3A_61] : memref<3x96x256xf32, #tpu.memory_space<vmem>> -> memref<1x96x256xf32, #tpu.memory_space<vmem>>
    %dma_start3A_63 = tpu.memref_squeeze %dma_start3A_62 : memref<1x96x256xf32, #tpu.memory_space<vmem>> -> memref<96x256xf32, #tpu.memory_space<vmem>>
    tpu.enqueue_dma source(%dma_start3A_63 : memref<96x256xf32, #tpu.memory_space<vmem>>) target(%dma_start3A_59 : memref<96x256xf32, #tpu.memory_space<hbm>>) target_semaphore(%arg10 : memref<!tpu.dma_semaphore, #tpu.memory_space<semaphore_mem>>)
    %dma_wait3A_64 = arith.constant 1 : i32
    %dma_wait3A_65 = arith.constant 1 : i32
    %dma_wait3A_66 = arith.constant 0 : i32
    %dma_wait3A_67 = arith.constant 0 : i32
    %dma_wait3A_68 = tpu.memref_slice %arg6[%dma_wait3A_65, %dma_wait3A_66, %dma_wait3A_67] : memref<3x96x256xf32, #tpu.memory_space<vmem>> -> memref<1x96x256xf32, #tpu.memory_space<vmem>>
    %dma_wait3A_69 = tpu.memref_squeeze %dma_wait3A_68 : memref<1x96x256xf32, #tpu.memory_space<vmem>> -> memref<96x256xf32, #tpu.memory_space<vmem>>
    %dma_wait3A_70 = arith.constant 0 : i32
    %dma_wait3A_71 = tpu.memref_slice %arg5[%dma_wait3A_64, %dma_wait3A_70] : memref<6x96xi32, #tpu.memory_space<vmem>> -> memref<1x96xi32, #tpu.memory_space<vmem>>
    %dma_wait3A_72 = tpu.memref_squeeze %dma_wait3A_71 : memref<1x96xi32, #tpu.memory_space<vmem>> -> memref<96xi32, #tpu.memory_space<vmem>>
    %dma_wait3A_73 = arith.constant 0 : i32
    %dma_wait3A_74 = arith.constant 0 : i32
    %dma_wait3A_75 = tpu.memref_slice %arg2[%dma_wait3A_73, %dma_wait3A_74] : memref<8192x256xf32, #tpu.memory_space<hbm>> -> memref<8192x256xf32, #tpu.memory_space<hbm>>
    tpu.wait_indirect_dma semaphore(%arg8 : memref<!tpu.dma_semaphore, #tpu.memory_space<semaphore_mem>>) src(%dma_wait3A_75 : memref<8192x256xf32, #tpu.memory_space<hbm>>) dst(%dma_wait3A_69 : memref<96x256xf32, #tpu.memory_space<vmem>>)
    %dma_wait3A_76 = arith.constant 0 : i32
    %dma_wait3A_77 = arith.constant 0 : i32
    %dma_wait3A_78 = arith.constant 0 : i32
    %dma_wait3A_79 = tpu.memref_slice %arg6[%dma_wait3A_76, %dma_wait3A_77, %dma_wait3A_78] : memref<3x96x256xf32, #tpu.memory_space<vmem>> -> memref<1x96x256xf32, #tpu.memory_space<vmem>>
    %dma_wait3A_80 = tpu.memref_squeeze %dma_wait3A_79 : memref<1x96x256xf32, #tpu.memory_space<vmem>> -> memref<96x256xf32, #tpu.memory_space<vmem>>
    %dma_wait3A_81 = arith.constant 0 : i32
    %dma_wait3A_82 = tpu.memref_slice %arg4[%add3A_50, %dma_wait3A_81] : memref<18432x256xf32, #tpu.memory_space<hbm>> -> memref<96x256xf32, #tpu.memory_space<hbm>>
    %dma_wait3A_83 = arith.constant 0 : i32
    %dma_wait3A_84 = tpu.memref_slice %arg4[%add3A_50, %dma_wait3A_83] : memref<18432x256xf32, #tpu.memory_space<hbm>> -> memref<96x256xf32, #tpu.memory_space<hbm>>
    %dma_wait3A_85 = arith.constant 0 : i32
    %dma_wait3A_86 = arith.constant 0 : i32
    %dma_wait3A_87 = tpu.memref_slice %arg6[%dma_wait3A_76, %dma_wait3A_85, %dma_wait3A_86] : memref<3x96x256xf32, #tpu.memory_space<vmem>> -> memref<1x96x256xf32, #tpu.memory_space<vmem>>
    %dma_wait3A_88 = tpu.memref_squeeze %dma_wait3A_87 : memref<1x96x256xf32, #tpu.memory_space<vmem>> -> memref<96x256xf32, #tpu.memory_space<vmem>>
    tpu.wait_dma2 semaphore(%arg10 : memref<!tpu.dma_semaphore, #tpu.memory_space<semaphore_mem>>) src(%dma_wait3A_88 : memref<96x256xf32, #tpu.memory_space<vmem>>) dst(%dma_wait3A_84 : memref<96x256xf32, #tpu.memory_space<hbm>>)
    %dma_start3A_89 = arith.constant 3 : i32
    %dma_start3A_90 = arith.constant 0 : i32
    %dma_start3A_91 = arith.constant 0 : i32
    %dma_start3A_92 = arith.constant 0 : i32
    %dma_start3A_93 = tpu.memref_slice %arg6[%dma_start3A_90, %dma_start3A_91, %dma_start3A_92] : memref<3x96x256xf32, #tpu.memory_space<vmem>> -> memref<1x96x256xf32, #tpu.memory_space<vmem>>
    %dma_start3A_94 = tpu.memref_squeeze %dma_start3A_93 : memref<1x96x256xf32, #tpu.memory_space<vmem>> -> memref<96x256xf32, #tpu.memory_space<vmem>>
    %dma_start3A_95 = arith.constant 0 : i32
    %dma_start3A_96 = tpu.memref_slice %arg5[%dma_start3A_89, %dma_start3A_95] : memref<6x96xi32, #tpu.memory_space<vmem>> -> memref<1x96xi32, #tpu.memory_space<vmem>>
    %dma_start3A_97 = tpu.memref_squeeze %dma_start3A_96 : memref<1x96xi32, #tpu.memory_space<vmem>> -> memref<96xi32, #tpu.memory_space<vmem>>
    %dma_start3A_98 = arith.constant 0 : i32
    %dma_start3A_99 = arith.constant 0 : i32
    %dma_start3A_100 = tpu.memref_slice %arg2[%dma_start3A_98, %dma_start3A_99] : memref<8192x256xf32, #tpu.memory_space<hbm>> -> memref<8192x256xf32, #tpu.memory_space<hbm>>
    tpu.enqueue_indirect_dma source(%dma_start3A_100 : memref<8192x256xf32, #tpu.memory_space<hbm>>) target(%dma_start3A_94 : memref<96x256xf32, #tpu.memory_space<vmem>>) offsets(%dma_start3A_97 : memref<96xi32, #tpu.memory_space<vmem>>) semaphore(%arg7 : memref<!tpu.dma_semaphore, #tpu.memory_space<semaphore_mem>>)
    %add3A_101 = arith.constant 96 : i32
    %add3A_102 = arith.addi %mul3A_2, %add3A_101 : i32
    %dma_start3A_103 = arith.constant 1 : i32
    %dma_start3A_104 = arith.constant 0 : i32
    %dma_start3A_105 = arith.constant 0 : i32
    %dma_start3A_106 = tpu.memref_slice %arg6[%dma_start3A_103, %dma_start3A_104, %dma_start3A_105] : memref<3x96x256xf32, #tpu.memory_space<vmem>> -> memref<1x96x256xf32, #tpu.memory_space<vmem>>
    %dma_start3A_107 = tpu.memref_squeeze %dma_start3A_106 : memref<1x96x256xf32, #tpu.memory_space<vmem>> -> memref<96x256xf32, #tpu.memory_space<vmem>>
    %dma_start3A_108 = arith.constant 0 : i32
    %dma_start3A_109 = tpu.memref_slice %arg4[%add3A_102, %dma_start3A_108] : memref<18432x256xf32, #tpu.memory_space<hbm>> -> memref<96x256xf32, #tpu.memory_space<hbm>>
    %dma_start3A_110 = arith.constant 0 : i32
    %dma_start3A_111 = tpu.memref_slice %arg4[%add3A_102, %dma_start3A_110] : memref<18432x256xf32, #tpu.memory_space<hbm>> -> memref<96x256xf32, #tpu.memory_space<hbm>>
    %dma_start3A_112 = arith.constant 0 : i32
    %dma_start3A_113 = arith.constant 0 : i32
    %dma_start3A_114 = tpu.memref_slice %arg6[%dma_start3A_103, %dma_start3A_112, %dma_start3A_113] : memref<3x96x256xf32, #tpu.memory_space<vmem>> -> memref<1x96x256xf32, #tpu.memory_space<vmem>>
    %dma_start3A_115 = tpu.memref_squeeze %dma_start3A_114 : memref<1x96x256xf32, #tpu.memory_space<vmem>> -> memref<96x256xf32, #tpu.memory_space<vmem>>
    tpu.enqueue_dma source(%dma_start3A_115 : memref<96x256xf32, #tpu.memory_space<vmem>>) target(%dma_start3A_111 : memref<96x256xf32, #tpu.memory_space<hbm>>) target_semaphore(%arg11 : memref<!tpu.dma_semaphore, #tpu.memory_space<semaphore_mem>>)
    %dma_wait3A_116 = arith.constant 2 : i32
    %dma_wait3A_117 = arith.constant 2 : i32
    %dma_wait3A_118 = arith.constant 0 : i32
    %dma_wait3A_119 = arith.constant 0 : i32
    %dma_wait3A_120 = tpu.memref_slice %arg6[%dma_wait3A_117, %dma_wait3A_118, %dma_wait3A_119] : memref<3x96x256xf32, #tpu.memory_space<vmem>> -> memref<1x96x256xf32, #tpu.memory_space<vmem>>
    %dma_wait3A_121 = tpu.memref_squeeze %dma_wait3A_120 : memref<1x96x256xf32, #tpu.memory_space<vmem>> -> memref<96x256xf32, #tpu.memory_space<vmem>>
    %dma_wait3A_122 = arith.constant 0 : i32
    %dma_wait3A_123 = tpu.memref_slice %arg5[%dma_wait3A_116, %dma_wait3A_122] : memref<6x96xi32, #tpu.memory_space<vmem>> -> memref<1x96xi32, #tpu.memory_space<vmem>>
    %dma_wait3A_124 = tpu.memref_squeeze %dma_wait3A_123 : memref<1x96xi32, #tpu.memory_space<vmem>> -> memref<96xi32, #tpu.memory_space<vmem>>
    %dma_wait3A_125 = arith.constant 0 : i32
    %dma_wait3A_126 = arith.constant 0 : i32
    %dma_wait3A_127 = tpu.memref_slice %arg2[%dma_wait3A_125, %dma_wait3A_126] : memref<8192x256xf32, #tpu.memory_space<hbm>> -> memref<8192x256xf32, #tpu.memory_space<hbm>>
    tpu.wait_indirect_dma semaphore(%arg9 : memref<!tpu.dma_semaphore, #tpu.memory_space<semaphore_mem>>) src(%dma_wait3A_127 : memref<8192x256xf32, #tpu.memory_space<hbm>>) dst(%dma_wait3A_121 : memref<96x256xf32, #tpu.memory_space<vmem>>)
    %dma_wait3A_128 = arith.constant 1 : i32
    %dma_wait3A_129 = arith.constant 0 : i32
    %dma_wait3A_130 = arith.constant 0 : i32
    %dma_wait3A_131 = tpu.memref_slice %arg6[%dma_wait3A_128, %dma_wait3A_129, %dma_wait3A_130] : memref<3x96x256xf32, #tpu.memory_space<vmem>> -> memref<1x96x256xf32, #tpu.memory_space<vmem>>
    %dma_wait3A_132 = tpu.memref_squeeze %dma_wait3A_131 : memref<1x96x256xf32, #tpu.memory_space<vmem>> -> memref<96x256xf32, #tpu.memory_space<vmem>>
    %dma_wait3A_133 = arith.constant 0 : i32
    %dma_wait3A_134 = tpu.memref_slice %arg4[%add3A_102, %dma_wait3A_133] : memref<18432x256xf32, #tpu.memory_space<hbm>> -> memref<96x256xf32, #tpu.memory_space<hbm>>
    %dma_wait3A_135 = arith.constant 0 : i32
    %dma_wait3A_136 = tpu.memref_slice %arg4[%add3A_102, %dma_wait3A_135] : memref<18432x256xf32, #tpu.memory_space<hbm>> -> memref<96x256xf32, #tpu.memory_space<hbm>>
    %dma_wait3A_137 = arith.constant 0 : i32
    %dma_wait3A_138 = arith.constant 0 : i32
    %dma_wait3A_139 = tpu.memref_slice %arg6[%dma_wait3A_128, %dma_wait3A_137, %dma_wait3A_138] : memref<3x96x256xf32, #tpu.memory_space<vmem>> -> memref<1x96x256xf32, #tpu.memory_space<vmem>>
    %dma_wait3A_140 = tpu.memref_squeeze %dma_wait3A_139 : memref<1x96x256xf32, #tpu.memory_space<vmem>> -> memref<96x256xf32, #tpu.memory_space<vmem>>
    tpu.wait_dma2 semaphore(%arg11 : memref<!tpu.dma_semaphore, #tpu.memory_space<semaphore_mem>>) src(%dma_wait3A_140 : memref<96x256xf32, #tpu.memory_space<vmem>>) dst(%dma_wait3A_136 : memref<96x256xf32, #tpu.memory_space<hbm>>)
    %dma_start3A_141 = arith.constant 4 : i32
    %dma_start3A_142 = arith.constant 1 : i32
    %dma_start3A_143 = arith.constant 0 : i32
    %dma_start3A_144 = arith.constant 0 : i32
    %dma_start3A_145 = tpu.memref_slice %arg6[%dma_start3A_142, %dma_start3A_143, %dma_start3A_144] : memref<3x96x256xf32, #tpu.memory_space<vmem>> -> memref<1x96x256xf32, #tpu.memory_space<vmem>>
    %dma_start3A_146 = tpu.memref_squeeze %dma_start3A_145 : memref<1x96x256xf32, #tpu.memory_space<vmem>> -> memref<96x256xf32, #tpu.memory_space<vmem>>
    %dma_start3A_147 = arith.constant 0 : i32
    %dma_start3A_148 = tpu.memref_slice %arg5[%dma_start3A_141, %dma_start3A_147] : memref<6x96xi32, #tpu.memory_space<vmem>> -> memref<1x96xi32, #tpu.memory_space<vmem>>
    %dma_start3A_149 = tpu.memref_squeeze %dma_start3A_148 : memref<1x96xi32, #tpu.memory_space<vmem>> -> memref<96xi32, #tpu.memory_space<vmem>>
    %dma_start3A_150 = arith.constant 0 : i32
    %dma_start3A_151 = arith.constant 0 : i32
    %dma_start3A_152 = tpu.memref_slice %arg2[%dma_start3A_150, %dma_start3A_151] : memref<8192x256xf32, #tpu.memory_space<hbm>> -> memref<8192x256xf32, #tpu.memory_space<hbm>>
    tpu.enqueue_indirect_dma source(%dma_start3A_152 : memref<8192x256xf32, #tpu.memory_space<hbm>>) target(%dma_start3A_146 : memref<96x256xf32, #tpu.memory_space<vmem>>) offsets(%dma_start3A_149 : memref<96xi32, #tpu.memory_space<vmem>>) semaphore(%arg8 : memref<!tpu.dma_semaphore, #tpu.memory_space<semaphore_mem>>)
    %add3A_153 = arith.constant 192 : i32
    %add3A_154 = arith.addi %mul3A_2, %add3A_153 : i32
    %dma_start3A_155 = arith.constant 2 : i32
    %dma_start3A_156 = arith.constant 0 : i32
    %dma_start3A_157 = arith.constant 0 : i32
    %dma_start3A_158 = tpu.memref_slice %arg6[%dma_start3A_155, %dma_start3A_156, %dma_start3A_157] : memref<3x96x256xf32, #tpu.memory_space<vmem>> -> memref<1x96x256xf32, #tpu.memory_space<vmem>>
    %dma_start3A_159 = tpu.memref_squeeze %dma_start3A_158 : memref<1x96x256xf32, #tpu.memory_space<vmem>> -> memref<96x256xf32, #tpu.memory_space<vmem>>
    %dma_start3A_160 = arith.constant 0 : i32
    %dma_start3A_161 = tpu.memref_slice %arg4[%add3A_154, %dma_start3A_160] : memref<18432x256xf32, #tpu.memory_space<hbm>> -> memref<96x256xf32, #tpu.memory_space<hbm>>
    %dma_start3A_162 = arith.constant 0 : i32
    %dma_start3A_163 = tpu.memref_slice %arg4[%add3A_154, %dma_start3A_162] : memref<18432x256xf32, #tpu.memory_space<hbm>> -> memref<96x256xf32, #tpu.memory_space<hbm>>
    %dma_start3A_164 = arith.constant 0 : i32
    %dma_start3A_165 = arith.constant 0 : i32
    %dma_start3A_166 = tpu.memref_slice %arg6[%dma_start3A_155, %dma_start3A_164, %dma_start3A_165] : memref<3x96x256xf32, #tpu.memory_space<vmem>> -> memref<1x96x256xf32, #tpu.memory_space<vmem>>
    %dma_start3A_167 = tpu.memref_squeeze %dma_start3A_166 : memref<1x96x256xf32, #tpu.memory_space<vmem>> -> memref<96x256xf32, #tpu.memory_space<vmem>>
    tpu.enqueue_dma source(%dma_start3A_167 : memref<96x256xf32, #tpu.memory_space<vmem>>) target(%dma_start3A_163 : memref<96x256xf32, #tpu.memory_space<hbm>>) target_semaphore(%arg12 : memref<!tpu.dma_semaphore, #tpu.memory_space<semaphore_mem>>)
    %dma_wait3A_168 = arith.constant 3 : i32
    %dma_wait3A_169 = arith.constant 0 : i32
    %dma_wait3A_170 = arith.constant 0 : i32
    %dma_wait3A_171 = arith.constant 0 : i32
    %dma_wait3A_172 = tpu.memref_slice %arg6[%dma_wait3A_169, %dma_wait3A_170, %dma_wait3A_171] : memref<3x96x256xf32, #tpu.memory_space<vmem>> -> memref<1x96x256xf32, #tpu.memory_space<vmem>>
    %dma_wait3A_173 = tpu.memref_squeeze %dma_wait3A_172 : memref<1x96x256xf32, #tpu.memory_space<vmem>> -> memref<96x256xf32, #tpu.memory_space<vmem>>
    %dma_wait3A_174 = arith.constant 0 : i32
    %dma_wait3A_175 = tpu.memref_slice %arg5[%dma_wait3A_168, %dma_wait3A_174] : memref<6x96xi32, #tpu.memory_space<vmem>> -> memref<1x96xi32, #tpu.memory_space<vmem>>
    %dma_wait3A_176 = tpu.memref_squeeze %dma_wait3A_175 : memref<1x96xi32, #tpu.memory_space<vmem>> -> memref<96xi32, #tpu.memory_space<vmem>>
    %dma_wait3A_177 = arith.constant 0 : i32
    %dma_wait3A_178 = arith.constant 0 : i32
    %dma_wait3A_179 = tpu.memref_slice %arg2[%dma_wait3A_177, %dma_wait3A_178] : memref<8192x256xf32, #tpu.memory_space<hbm>> -> memref<8192x256xf32, #tpu.memory_space<hbm>>
    tpu.wait_indirect_dma semaphore(%arg7 : memref<!tpu.dma_semaphore, #tpu.memory_space<semaphore_mem>>) src(%dma_wait3A_179 : memref<8192x256xf32, #tpu.memory_space<hbm>>) dst(%dma_wait3A_173 : memref<96x256xf32, #tpu.memory_space<vmem>>)
    %dma_wait3A_180 = arith.constant 2 : i32
    %dma_wait3A_181 = arith.constant 0 : i32
    %dma_wait3A_182 = arith.constant 0 : i32
    %dma_wait3A_183 = tpu.memref_slice %arg6[%dma_wait3A_180, %dma_wait3A_181, %dma_wait3A_182] : memref<3x96x256xf32, #tpu.memory_space<vmem>> -> memref<1x96x256xf32, #tpu.memory_space<vmem>>
    %dma_wait3A_184 = tpu.memref_squeeze %dma_wait3A_183 : memref<1x96x256xf32, #tpu.memory_space<vmem>> -> memref<96x256xf32, #tpu.memory_space<vmem>>
    %dma_wait3A_185 = arith.constant 0 : i32
    %dma_wait3A_186 = tpu.memref_slice %arg4[%add3A_154, %dma_wait3A_185] : memref<18432x256xf32, #tpu.memory_space<hbm>> -> memref<96x256xf32, #tpu.memory_space<hbm>>
    %dma_wait3A_187 = arith.constant 0 : i32
    %dma_wait3A_188 = tpu.memref_slice %arg4[%add3A_154, %dma_wait3A_187] : memref<18432x256xf32, #tpu.memory_space<hbm>> -> memref<96x256xf32, #tpu.memory_space<hbm>>
    %dma_wait3A_189 = arith.constant 0 : i32
    %dma_wait3A_190 = arith.constant 0 : i32
    %dma_wait3A_191 = tpu.memref_slice %arg6[%dma_wait3A_180, %dma_wait3A_189, %dma_wait3A_190] : memref<3x96x256xf32, #tpu.memory_space<vmem>> -> memref<1x96x256xf32, #tpu.memory_space<vmem>>
    %dma_wait3A_192 = tpu.memref_squeeze %dma_wait3A_191 : memref<1x96x256xf32, #tpu.memory_space<vmem>> -> memref<96x256xf32, #tpu.memory_space<vmem>>
    tpu.wait_dma2 semaphore(%arg12 : memref<!tpu.dma_semaphore, #tpu.memory_space<semaphore_mem>>) src(%dma_wait3A_192 : memref<96x256xf32, #tpu.memory_space<vmem>>) dst(%dma_wait3A_188 : memref<96x256xf32, #tpu.memory_space<hbm>>)
    %dma_start3A_193 = arith.constant 5 : i32
    %dma_start3A_194 = arith.constant 2 : i32
    %dma_start3A_195 = arith.constant 0 : i32
    %dma_start3A_196 = arith.constant 0 : i32
    %dma_start3A_197 = tpu.memref_slice %arg6[%dma_start3A_194, %dma_start3A_195, %dma_start3A_196] : memref<3x96x256xf32, #tpu.memory_space<vmem>> -> memref<1x96x256xf32, #tpu.memory_space<vmem>>
    %dma_start3A_198 = tpu.memref_squeeze %dma_start3A_197 : memref<1x96x256xf32, #tpu.memory_space<vmem>> -> memref<96x256xf32, #tpu.memory_space<vmem>>
    %dma_start3A_199 = arith.constant 0 : i32
    %dma_start3A_200 = tpu.memref_slice %arg5[%dma_start3A_193, %dma_start3A_199] : memref<6x96xi32, #tpu.memory_space<vmem>> -> memref<1x96xi32, #tpu.memory_space<vmem>>
    %dma_start3A_201 = tpu.memref_squeeze %dma_start3A_200 : memref<1x96xi32, #tpu.memory_space<vmem>> -> memref<96xi32, #tpu.memory_space<vmem>>
    %dma_start3A_202 = arith.constant 0 : i32
    %dma_start3A_203 = arith.constant 0 : i32
    %dma_start3A_204 = tpu.memref_slice %arg2[%dma_start3A_202, %dma_start3A_203] : memref<8192x256xf32, #tpu.memory_space<hbm>> -> memref<8192x256xf32, #tpu.memory_space<hbm>>
    tpu.enqueue_indirect_dma source(%dma_start3A_204 : memref<8192x256xf32, #tpu.memory_space<hbm>>) target(%dma_start3A_198 : memref<96x256xf32, #tpu.memory_space<vmem>>) offsets(%dma_start3A_201 : memref<96xi32, #tpu.memory_space<vmem>>) semaphore(%arg9 : memref<!tpu.dma_semaphore, #tpu.memory_space<semaphore_mem>>)
    %add3A_205 = arith.constant 288 : i32
    %add3A_206 = arith.addi %mul3A_2, %add3A_205 : i32
    %dma_start3A_207 = arith.constant 0 : i32
    %dma_start3A_208 = arith.constant 0 : i32
    %dma_start3A_209 = arith.constant 0 : i32
    %dma_start3A_210 = tpu.memref_slice %arg6[%dma_start3A_207, %dma_start3A_208, %dma_start3A_209] : memref<3x96x256xf32, #tpu.memory_space<vmem>> -> memref<1x96x256xf32, #tpu.memory_space<vmem>>
    %dma_start3A_211 = tpu.memref_squeeze %dma_start3A_210 : memref<1x96x256xf32, #tpu.memory_space<vmem>> -> memref<96x256xf32, #tpu.memory_space<vmem>>
    %dma_start3A_212 = arith.constant 0 : i32
    %dma_start3A_213 = tpu.memref_slice %arg4[%add3A_206, %dma_start3A_212] : memref<18432x256xf32, #tpu.memory_space<hbm>> -> memref<96x256xf32, #tpu.memory_space<hbm>>
    %dma_start3A_214 = arith.constant 0 : i32
    %dma_start3A_215 = tpu.memref_slice %arg4[%add3A_206, %dma_start3A_214] : memref<18432x256xf32, #tpu.memory_space<hbm>> -> memref<96x256xf32, #tpu.memory_space<hbm>>
    %dma_start3A_216 = arith.constant 0 : i32
    %dma_start3A_217 = arith.constant 0 : i32
    %dma_start3A_218 = tpu.memref_slice %arg6[%dma_start3A_207, %dma_start3A_216, %dma_start3A_217] : memref<3x96x256xf32, #tpu.memory_space<vmem>> -> memref<1x96x256xf32, #tpu.memory_space<vmem>>
    %dma_start3A_219 = tpu.memref_squeeze %dma_start3A_218 : memref<1x96x256xf32, #tpu.memory_space<vmem>> -> memref<96x256xf32, #tpu.memory_space<vmem>>
    tpu.enqueue_dma source(%dma_start3A_219 : memref<96x256xf32, #tpu.memory_space<vmem>>) target(%dma_start3A_215 : memref<96x256xf32, #tpu.memory_space<hbm>>) target_semaphore(%arg10 : memref<!tpu.dma_semaphore, #tpu.memory_space<semaphore_mem>>)
    %dma_wait3A_220 = arith.constant 4 : i32
    %dma_wait3A_221 = arith.constant 1 : i32
    %dma_wait3A_222 = arith.constant 0 : i32
    %dma_wait3A_223 = arith.constant 0 : i32
    %dma_wait3A_224 = tpu.memref_slice %arg6[%dma_wait3A_221, %dma_wait3A_222, %dma_wait3A_223] : memref<3x96x256xf32, #tpu.memory_space<vmem>> -> memref<1x96x256xf32, #tpu.memory_space<vmem>>
    %dma_wait3A_225 = tpu.memref_squeeze %dma_wait3A_224 : memref<1x96x256xf32, #tpu.memory_space<vmem>> -> memref<96x256xf32, #tpu.memory_space<vmem>>
    %dma_wait3A_226 = arith.constant 0 : i32
    %dma_wait3A_227 = tpu.memref_slice %arg5[%dma_wait3A_220, %dma_wait3A_226] : memref<6x96xi32, #tpu.memory_space<vmem>> -> memref<1x96xi32, #tpu.memory_space<vmem>>
    %dma_wait3A_228 = tpu.memref_squeeze %dma_wait3A_227 : memref<1x96xi32, #tpu.memory_space<vmem>> -> memref<96xi32, #tpu.memory_space<vmem>>
    %dma_wait3A_229 = arith.constant 0 : i32
    %dma_wait3A_230 = arith.constant 0 : i32
    %dma_wait3A_231 = tpu.memref_slice %arg2[%dma_wait3A_229, %dma_wait3A_230] : memref<8192x256xf32, #tpu.memory_space<hbm>> -> memref<8192x256xf32, #tpu.memory_space<hbm>>
    tpu.wait_indirect_dma semaphore(%arg8 : memref<!tpu.dma_semaphore, #tpu.memory_space<semaphore_mem>>) src(%dma_wait3A_231 : memref<8192x256xf32, #tpu.memory_space<hbm>>) dst(%dma_wait3A_225 : memref<96x256xf32, #tpu.memory_space<vmem>>)
    %add3A_232 = arith.constant 384 : i32
    %add3A_233 = arith.addi %mul3A_2, %add3A_232 : i32
    %dma_start3A_234 = arith.constant 1 : i32
    %dma_start3A_235 = arith.constant 0 : i32
    %dma_start3A_236 = arith.constant 0 : i32
    %dma_start3A_237 = tpu.memref_slice %arg6[%dma_start3A_234, %dma_start3A_235, %dma_start3A_236] : memref<3x96x256xf32, #tpu.memory_space<vmem>> -> memref<1x96x256xf32, #tpu.memory_space<vmem>>
    %dma_start3A_238 = tpu.memref_squeeze %dma_start3A_237 : memref<1x96x256xf32, #tpu.memory_space<vmem>> -> memref<96x256xf32, #tpu.memory_space<vmem>>
    %dma_start3A_239 = arith.constant 0 : i32
    %dma_start3A_240 = tpu.memref_slice %arg4[%add3A_233, %dma_start3A_239] : memref<18432x256xf32, #tpu.memory_space<hbm>> -> memref<96x256xf32, #tpu.memory_space<hbm>>
    %dma_start3A_241 = arith.constant 0 : i32
    %dma_start3A_242 = tpu.memref_slice %arg4[%add3A_233, %dma_start3A_241] : memref<18432x256xf32, #tpu.memory_space<hbm>> -> memref<96x256xf32, #tpu.memory_space<hbm>>
    %dma_start3A_243 = arith.constant 0 : i32
    %dma_start3A_244 = arith.constant 0 : i32
    %dma_start3A_245 = tpu.memref_slice %arg6[%dma_start3A_234, %dma_start3A_243, %dma_start3A_244] : memref<3x96x256xf32, #tpu.memory_space<vmem>> -> memref<1x96x256xf32, #tpu.memory_space<vmem>>
    %dma_start3A_246 = tpu.memref_squeeze %dma_start3A_245 : memref<1x96x256xf32, #tpu.memory_space<vmem>> -> memref<96x256xf32, #tpu.memory_space<vmem>>
    tpu.enqueue_dma source(%dma_start3A_246 : memref<96x256xf32, #tpu.memory_space<vmem>>) target(%dma_start3A_242 : memref<96x256xf32, #tpu.memory_space<hbm>>) target_semaphore(%arg11 : memref<!tpu.dma_semaphore, #tpu.memory_space<semaphore_mem>>)
    %dma_wait3A_247 = arith.constant 5 : i32
    %dma_wait3A_248 = arith.constant 2 : i32
    %dma_wait3A_249 = arith.constant 0 : i32
    %dma_wait3A_250 = arith.constant 0 : i32
    %dma_wait3A_251 = tpu.memref_slice %arg6[%dma_wait3A_248, %dma_wait3A_249, %dma_wait3A_250] : memref<3x96x256xf32, #tpu.memory_space<vmem>> -> memref<1x96x256xf32, #tpu.memory_space<vmem>>
    %dma_wait3A_252 = tpu.memref_squeeze %dma_wait3A_251 : memref<1x96x256xf32, #tpu.memory_space<vmem>> -> memref<96x256xf32, #tpu.memory_space<vmem>>
    %dma_wait3A_253 = arith.constant 0 : i32
    %dma_wait3A_254 = tpu.memref_slice %arg5[%dma_wait3A_247, %dma_wait3A_253] : memref<6x96xi32, #tpu.memory_space<vmem>> -> memref<1x96xi32, #tpu.memory_space<vmem>>
    %dma_wait3A_255 = tpu.memref_squeeze %dma_wait3A_254 : memref<1x96xi32, #tpu.memory_space<vmem>> -> memref<96xi32, #tpu.memory_space<vmem>>
    %dma_wait3A_256 = arith.constant 0 : i32
    %dma_wait3A_257 = arith.constant 0 : i32
    %dma_wait3A_258 = tpu.memref_slice %arg2[%dma_wait3A_256, %dma_wait3A_257] : memref<8192x256xf32, #tpu.memory_space<hbm>> -> memref<8192x256xf32, #tpu.memory_space<hbm>>
    tpu.wait_indirect_dma semaphore(%arg9 : memref<!tpu.dma_semaphore, #tpu.memory_space<semaphore_mem>>) src(%dma_wait3A_258 : memref<8192x256xf32, #tpu.memory_space<hbm>>) dst(%dma_wait3A_252 : memref<96x256xf32, #tpu.memory_space<vmem>>)
    %add3A_259 = arith.constant 480 : i32
    %add3A_260 = arith.addi %mul3A_2, %add3A_259 : i32
    %dma_start3A_261 = arith.constant 2 : i32
    %dma_start3A_262 = arith.constant 0 : i32
    %dma_start3A_263 = arith.constant 0 : i32
    %dma_start3A_264 = tpu.memref_slice %arg6[%dma_start3A_261, %dma_start3A_262, %dma_start3A_263] : memref<3x96x256xf32, #tpu.memory_space<vmem>> -> memref<1x96x256xf32, #tpu.memory_space<vmem>>
    %dma_start3A_265 = tpu.memref_squeeze %dma_start3A_264 : memref<1x96x256xf32, #tpu.memory_space<vmem>> -> memref<96x256xf32, #tpu.memory_space<vmem>>
    %dma_start3A_266 = arith.constant 0 : i32
    %dma_start3A_267 = tpu.memref_slice %arg4[%add3A_260, %dma_start3A_266] : memref<18432x256xf32, #tpu.memory_space<hbm>> -> memref<96x256xf32, #tpu.memory_space<hbm>>
    %dma_start3A_268 = arith.constant 0 : i32
    %dma_start3A_269 = tpu.memref_slice %arg4[%add3A_260, %dma_start3A_268] : memref<18432x256xf32, #tpu.memory_space<hbm>> -> memref<96x256xf32, #tpu.memory_space<hbm>>
    %dma_start3A_270 = arith.constant 0 : i32
    %dma_start3A_271 = arith.constant 0 : i32
    %dma_start3A_272 = tpu.memref_slice %arg6[%dma_start3A_261, %dma_start3A_270, %dma_start3A_271] : memref<3x96x256xf32, #tpu.memory_space<vmem>> -> memref<1x96x256xf32, #tpu.memory_space<vmem>>
    %dma_start3A_273 = tpu.memref_squeeze %dma_start3A_272 : memref<1x96x256xf32, #tpu.memory_space<vmem>> -> memref<96x256xf32, #tpu.memory_space<vmem>>
    tpu.enqueue_dma source(%dma_start3A_273 : memref<96x256xf32, #tpu.memory_space<vmem>>) target(%dma_start3A_269 : memref<96x256xf32, #tpu.memory_space<hbm>>) target_semaphore(%arg12 : memref<!tpu.dma_semaphore, #tpu.memory_space<semaphore_mem>>)
    %dma_wait3A_274 = arith.constant 0 : i32
    %dma_wait3A_275 = arith.constant 0 : i32
    %dma_wait3A_276 = arith.constant 0 : i32
    %dma_wait3A_277 = tpu.memref_slice %arg6[%dma_wait3A_274, %dma_wait3A_275, %dma_wait3A_276] : memref<3x96x256xf32, #tpu.memory_space<vmem>> -> memref<1x96x256xf32, #tpu.memory_space<vmem>>
    %dma_wait3A_278 = tpu.memref_squeeze %dma_wait3A_277 : memref<1x96x256xf32, #tpu.memory_space<vmem>> -> memref<96x256xf32, #tpu.memory_space<vmem>>
    %dma_wait3A_279 = arith.constant 0 : i32
    %dma_wait3A_280 = tpu.memref_slice %arg4[%add3A_206, %dma_wait3A_279] : memref<18432x256xf32, #tpu.memory_space<hbm>> -> memref<96x256xf32, #tpu.memory_space<hbm>>
    %dma_wait3A_281 = arith.constant 0 : i32
    %dma_wait3A_282 = tpu.memref_slice %arg4[%add3A_206, %dma_wait3A_281] : memref<18432x256xf32, #tpu.memory_space<hbm>> -> memref<96x256xf32, #tpu.memory_space<hbm>>
    %dma_wait3A_283 = arith.constant 0 : i32
    %dma_wait3A_284 = arith.constant 0 : i32
    %dma_wait3A_285 = tpu.memref_slice %arg6[%dma_wait3A_274, %dma_wait3A_283, %dma_wait3A_284] : memref<3x96x256xf32, #tpu.memory_space<vmem>> -> memref<1x96x256xf32, #tpu.memory_space<vmem>>
    %dma_wait3A_286 = tpu.memref_squeeze %dma_wait3A_285 : memref<1x96x256xf32, #tpu.memory_space<vmem>> -> memref<96x256xf32, #tpu.memory_space<vmem>>
    tpu.wait_dma2 semaphore(%arg10 : memref<!tpu.dma_semaphore, #tpu.memory_space<semaphore_mem>>) src(%dma_wait3A_286 : memref<96x256xf32, #tpu.memory_space<vmem>>) dst(%dma_wait3A_282 : memref<96x256xf32, #tpu.memory_space<hbm>>)
    %dma_wait3A_287 = arith.constant 1 : i32
    %dma_wait3A_288 = arith.constant 0 : i32
    %dma_wait3A_289 = arith.constant 0 : i32
    %dma_wait3A_290 = tpu.memref_slice %arg6[%dma_wait3A_287, %dma_wait3A_288, %dma_wait3A_289] : memref<3x96x256xf32, #tpu.memory_space<vmem>> -> memref<1x96x256xf32, #tpu.memory_space<vmem>>
    %dma_wait3A_291 = tpu.memref_squeeze %dma_wait3A_290 : memref<1x96x256xf32, #tpu.memory_space<vmem>> -> memref<96x256xf32, #tpu.memory_space<vmem>>
    %dma_wait3A_292 = arith.constant 0 : i32
    %dma_wait3A_293 = tpu.memref_slice %arg4[%add3A_233, %dma_wait3A_292] : memref<18432x256xf32, #tpu.memory_space<hbm>> -> memref<96x256xf32, #tpu.memory_space<hbm>>
    %dma_wait3A_294 = arith.constant 0 : i32
    %dma_wait3A_295 = tpu.memref_slice %arg4[%add3A_233, %dma_wait3A_294] : memref<18432x256xf32, #tpu.memory_space<hbm>> -> memref<96x256xf32, #tpu.memory_space<hbm>>
    %dma_wait3A_296 = arith.constant 0 : i32
    %dma_wait3A_297 = arith.constant 0 : i32
    %dma_wait3A_298 = tpu.memref_slice %arg6[%dma_wait3A_287, %dma_wait3A_296, %dma_wait3A_297] : memref<3x96x256xf32, #tpu.memory_space<vmem>> -> memref<1x96x256xf32, #tpu.memory_space<vmem>>
    %dma_wait3A_299 = tpu.memref_squeeze %dma_wait3A_298 : memref<1x96x256xf32, #tpu.memory_space<vmem>> -> memref<96x256xf32, #tpu.memory_space<vmem>>
    tpu.wait_dma2 semaphore(%arg11 : memref<!tpu.dma_semaphore, #tpu.memory_space<semaphore_mem>>) src(%dma_wait3A_299 : memref<96x256xf32, #tpu.memory_space<vmem>>) dst(%dma_wait3A_295 : memref<96x256xf32, #tpu.memory_space<hbm>>)
    %dma_wait3A_300 = arith.constant 2 : i32
    %dma_wait3A_301 = arith.constant 0 : i32
    %dma_wait3A_302 = arith.constant 0 : i32
    %dma_wait3A_303 = tpu.memref_slice %arg6[%dma_wait3A_300, %dma_wait3A_301, %dma_wait3A_302] : memref<3x96x256xf32, #tpu.memory_space<vmem>> -> memref<1x96x256xf32, #tpu.memory_space<vmem>>
    %dma_wait3A_304 = tpu.memref_squeeze %dma_wait3A_303 : memref<1x96x256xf32, #tpu.memory_space<vmem>> -> memref<96x256xf32, #tpu.memory_space<vmem>>
    %dma_wait3A_305 = arith.constant 0 : i32
    %dma_wait3A_306 = tpu.memref_slice %arg4[%add3A_260, %dma_wait3A_305] : memref<18432x256xf32, #tpu.memory_space<hbm>> -> memref<96x256xf32, #tpu.memory_space<hbm>>
    %dma_wait3A_307 = arith.constant 0 : i32
    %dma_wait3A_308 = tpu.memref_slice %arg4[%add3A_260, %dma_wait3A_307] : memref<18432x256xf32, #tpu.memory_space<hbm>> -> memref<96x256xf32, #tpu.memory_space<hbm>>
    %dma_wait3A_309 = arith.constant 0 : i32
    %dma_wait3A_310 = arith.constant 0 : i32
    %dma_wait3A_311 = tpu.memref_slice %arg6[%dma_wait3A_300, %dma_wait3A_309, %dma_wait3A_310] : memref<3x96x256xf32, #tpu.memory_space<vmem>> -> memref<1x96x256xf32, #tpu.memory_space<vmem>>
    %dma_wait3A_312 = tpu.memref_squeeze %dma_wait3A_311 : memref<1x96x256xf32, #tpu.memory_space<vmem>> -> memref<96x256xf32, #tpu.memory_space<vmem>>
    tpu.wait_dma2 semaphore(%arg12 : memref<!tpu.dma_semaphore, #tpu.memory_space<semaphore_mem>>) src(%dma_wait3A_312 : memref<96x256xf32, #tpu.memory_space<vmem>>) dst(%dma_wait3A_308 : memref<96x256xf32, #tpu.memory_space<hbm>>)
    return
  }
}

module attributes {stable_mosaic.version = 14 : i64} {
  func.func @_vq_dist_body(%arg0: i32, %arg1: memref<1024x256xf32, #tpu.memory_space<vmem>>, %arg2: memref<8192x256xf32, #tpu.memory_space<vmem>>, %arg3: memref<1x1024x1xi32, #tpu.memory_space<vmem>>, %arg4: memref<1x1024x1xf32, #tpu.memory_space<vmem>>, %arg5: memref<1x8192xf32, #tpu.memory_space<vmem>>, %arg6: memref<1024x256xf32, #tpu.memory_space<vmem>>, %arg7: memref<1024x256xi8, #tpu.memory_space<vmem>>) attributes {dimension_semantics = [#tpu.dimension_semantics<arbitrary>], iteration_bounds = array<i64: 18>, scalar_prefetch = 0 : i64, scratch_operands = 3 : i64, tpu.core_type = #tpu.core_type<tc>, window_params = [{transform_indices = @transform_0, window_bounds = array<i64: 1024, 256>}, {pipeline_mode = #tpu.pipeline_mode<synchronous>, transform_indices = @transform_1, window_bounds = array<i64: 8192, 256>}, {transform_indices = @transform_2, window_bounds = array<i64: 1, 1024, 1>}, {transform_indices = @transform_3, window_bounds = array<i64: 1, 1024, 1>}]} {
    %eq3A = arith.constant 0 : i32
    %eq3A_0 = arith.cmpi eq, %arg0, %eq3A : i32
    %convert_element_type3A = arith.extui %eq3A_0 : i1 to i32
    %cond3A = arith.constant 0 : i32
    %cond3A_1 = arith.cmpi ne, %convert_element_type3A, %cond3A : i32
    scf.if %cond3A_1 {
      %scan3A = arith.constant 0 : i32
      %scan3A_1033 = arith.constant 32 : i32
      %scan3A_1034 = arith.addi %scan3A, %scan3A_1033 : i32
      %scan3A_1035 = arith.constant 1 : i32
      scf.for %scan3A_1037 = %scan3A to %scan3A_1034 step %scan3A_1035  : i32 {
        %mul3A_1038 = arith.constant 256 : i32
        %mul3A_1039 = arith.muli %scan3A_1037, %mul3A_1038 : i32
        %get3A_1040 = arith.index_cast %mul3A_1039 : i32 to index
        %get3A_1041 = arith.constant 0 : index
        %get3A_1042 = vector.load %arg2[%get3A_1040, %get3A_1041] : memref<8192x256xf32, #tpu.memory_space<vmem>>, vector<256x256xf32>
        %mul3A_1043 = arith.mulf %get3A_1042, %get3A_1042 : vector<256x256xf32>
        %reduce_sum3A_1044 = arith.constant dense<0.000000e+00> : vector<256xf32>
        %reduce_sum3A_1045 = vector.multi_reduction <add>, %mul3A_1043, %reduce_sum3A_1044 [1] : vector<256x256xf32> to vector<256xf32>
        %mul3A_1046 = arith.constant 256 : i32
        %mul3A_1047 = arith.muli %scan3A_1037, %mul3A_1046 : i32
        %swap3A_1048 = arith.constant 0 : index
        %swap3A_1049 = arith.index_cast %mul3A_1047 : i32 to index
        %swap3A_1050 = vector.load %arg5[%swap3A_1048, %swap3A_1049] : memref<1x8192xf32, #tpu.memory_space<vmem>>, vector<1x256xf32>
        %swap3A_1051 = vector.shape_cast %swap3A_1050 : vector<1x256xf32> to vector<256xf32>
        %swap3A_1052 = vector.shape_cast %reduce_sum3A_1045 : vector<256xf32> to vector<1x256xf32>
        tpu.vector_store %arg5[%swap3A_1048, %swap3A_1049], %swap3A_1052 {strides = array<i32>} : memref<1x8192xf32, #tpu.memory_space<vmem>>, vector<1x256xf32>,
      }
      %scan3A_1036 = arith.constant 32 : i32
    } else {
    }
    %get3A = arith.constant 0 : index
    %get3A_2 = arith.constant 0 : index
    %get3A_3 = vector.load %arg1[%get3A, %get3A_2] : memref<1024x256xf32, #tpu.memory_space<vmem>>, vector<1024x256xf32>
    %mul3A = arith.mulf %get3A_3, %get3A_3 : vector<1024x256xf32>
    %reduce_sum3A = arith.constant dense<0.000000e+00> : vector<1024xf32>
    %reduce_sum3A_4 = vector.multi_reduction <add>, %mul3A, %reduce_sum3A [1] : vector<1024x256xf32> to vector<1024xf32>
    %broadcast_in_dim3A = vector.shape_cast %reduce_sum3A_4 : vector<1024xf32> to vector<1024x1xf32>
    %add3A = arith.addf %get3A_3, %get3A_3 : vector<1024x256xf32>
    %broadcast_in_dim3A_5 = arith.constant 0x7F800000 : f32
    %broadcast_in_dim3A_6 = vector.broadcast %broadcast_in_dim3A_5 : f32 to vector<1024x256xf32>
    %swap3A = arith.constant 0 : index
    %swap3A_7 = arith.constant 0 : index
    %swap3A_8 = vector.load %arg6[%swap3A, %swap3A_7] : memref<1024x256xf32, #tpu.memory_space<vmem>>, vector<1024x256xf32>
    tpu.vector_store %arg6[%swap3A, %swap3A_7], %broadcast_in_dim3A_6 {strides = array<i32>} : memref<1024x256xf32, #tpu.memory_space<vmem>>, vector<1024x256xf32>,
    %broadcast_in_dim3A_9 = arith.constant 0 : i8
    %broadcast_in_dim3A_10 = vector.broadcast %broadcast_in_dim3A_9 : i8 to vector<1024x256xi8>
    %swap3A_11 = arith.constant 0 : index
    %swap3A_12 = arith.constant 0 : index
    %swap3A_13 = vector.load %arg7[%swap3A_11, %swap3A_12] : memref<1024x256xi8, #tpu.memory_space<vmem>>, vector<1024x256xi8>
    tpu.vector_store %arg7[%swap3A_11, %swap3A_12], %broadcast_in_dim3A_10 {strides = array<i32>} : memref<1024x256xi8, #tpu.memory_space<vmem>>, vector<1024x256xi8>,
    %get3A_14 = arith.constant 0 : index
    %get3A_15 = arith.constant 0 : index
    %get3A_16 = vector.load %arg2[%get3A_14, %get3A_15] : memref<8192x256xf32, #tpu.memory_space<vmem>>, vector<256x256xf32>
    %dot_general3A = arith.constant dense<0.000000e+00> : vector<1024x256xf32>
    %dot_general3A_17 = tpu.matmul %add3A, %get3A_16, %dot_general3A {dimension_numbers = #tpu.dot_dimension_numbers<[1], [1], [0], [0], [0, 0, 1, 0], [], []>, transpose_lhs_hint = false} : vector<1024x256xf32>, vector<256x256xf32>, vector<1024x256xf32> -> vector<1024x256xf32>
    %get3A_18 = arith.constant 0 : index
    %get3A_19 = arith.constant 0 : index
    %get3A_20 = vector.load %arg5[%get3A_18, %get3A_19] : memref<1x8192xf32, #tpu.memory_space<vmem>>, vector<1x256xf32>
    %get3A_21 = vector.shape_cast %get3A_20 : vector<1x256xf32> to vector<256xf32>
    %sub3A = vector.broadcast %broadcast_in_dim3A : vector<1024x1xf32> to vector<1024x256xf32>
    %sub3A_22 = arith.subf %sub3A, %dot_general3A_17 : vector<1024x256xf32>
    %broadcast_in_dim3A_23 = vector.shape_cast %get3A_21 : vector<256xf32> to vector<1x256xf32>
    %add3A_24 = vector.broadcast %broadcast_in_dim3A_23 : vector<1x256xf32> to vector<1024x256xf32>
    %add3A_25 = arith.addf %sub3A_22, %add3A_24 : vector<1024x256xf32>
    %get3A_26 = arith.constant 0 : index
    %get3A_27 = arith.constant 0 : index
    %get3A_28 = vector.load %arg6[%get3A_26, %get3A_27] : memref<1024x256xf32, #tpu.memory_space<vmem>>, vector<1024x256xf32>
    %lt3A = arith.cmpf olt, %add3A_25, %get3A_28 : vector<1024x256xf32>
    %min3A = arith.minimumf %get3A_28, %add3A_25 : vector<1024x256xf32>
    %swap3A_29 = arith.constant 0 : index
    %swap3A_30 = arith.constant 0 : index
    %swap3A_31 = vector.load %arg6[%swap3A_29, %swap3A_30] : memref<1024x256xf32, #tpu.memory_space<vmem>>, vector<1024x256xf32>
    tpu.vector_store %arg6[%swap3A_29, %swap3A_30], %min3A {strides = array<i32>} : memref<1024x256xf32, #tpu.memory_space<vmem>>, vector<1024x256xf32>,
    %get3A_32 = arith.constant 0 : index
    %get3A_33 = arith.constant 0 : index
    %get3A_34 = vector.load %arg7[%get3A_32, %get3A_33] : memref<1024x256xi8, #tpu.memory_space<vmem>>, vector<1024x256xi8>
    %jit3A = arith.constant 0 : i8
    %broadcast_in_dim3A_35 = vector.broadcast %jit3A : i8 to vector<1024x256xi8>
    %select_n3A = arith.select %lt3A, %broadcast_in_dim3A_35, %get3A_34 : vector<1024x256xi1>, vector<1024x256xi8>
    %swap3A_36 = arith.constant 0 : index
    %swap3A_37 = arith.constant 0 : index
    %swap3A_38 = vector.load %arg7[%swap3A_36, %swap3A_37] : memref<1024x256xi8, #tpu.memory_space<vmem>>, vector<1024x256xi8>
    tpu.vector_store %arg7[%swap3A_36, %swap3A_37], %select_n3A {strides = array<i32>} : memref<1024x256xi8, #tpu.memory_space<vmem>>, vector<1024x256xi8>,
    %get3A_39 = arith.constant 256 : index
    %get3A_40 = arith.constant 0 : index
    %get3A_41 = vector.load %arg2[%get3A_39, %get3A_40] : memref<8192x256xf32, #tpu.memory_space<vmem>>, vector<256x256xf32>
    %dot_general3A_42 = arith.constant dense<0.000000e+00> : vector<1024x256xf32>
    %dot_general3A_43 = tpu.matmul %add3A, %get3A_41, %dot_general3A_42 {dimension_numbers = #tpu.dot_dimension_numbers<[1], [1], [0], [0], [0, 0, 1, 0], [], []>, transpose_lhs_hint = false} : vector<1024x256xf32>, vector<256x256xf32>, vector<1024x256xf32> -> vector<1024x256xf32>
    %get3A_44 = arith.constant 0 : index
    %get3A_45 = arith.constant 256 : index
    %get3A_46 = vector.load %arg5[%get3A_44, %get3A_45] : memref<1x8192xf32, #tpu.memory_space<vmem>>, vector<1x256xf32>
    %get3A_47 = vector.shape_cast %get3A_46 : vector<1x256xf32> to vector<256xf32>
    %sub3A_48 = vector.broadcast %broadcast_in_dim3A : vector<1024x1xf32> to vector<1024x256xf32>
    %sub3A_49 = arith.subf %sub3A_48, %dot_general3A_43 : vector<1024x256xf32>
    %broadcast_in_dim3A_50 = vector.shape_cast %get3A_47 : vector<256xf32> to vector<1x256xf32>
    %add3A_51 = vector.broadcast %broadcast_in_dim3A_50 : vector<1x256xf32> to vector<1024x256xf32>
    %add3A_52 = arith.addf %sub3A_49, %add3A_51 : vector<1024x256xf32>
    %get3A_53 = arith.constant 0 : index
    %get3A_54 = arith.constant 0 : index
    %get3A_55 = vector.load %arg6[%get3A_53, %get3A_54] : memref<1024x256xf32, #tpu.memory_space<vmem>>, vector<1024x256xf32>
    %lt3A_56 = arith.cmpf olt, %add3A_52, %get3A_55 : vector<1024x256xf32>
    %min3A_57 = arith.minimumf %get3A_55, %add3A_52 : vector<1024x256xf32>
    %swap3A_58 = arith.constant 0 : index
    %swap3A_59 = arith.constant 0 : index
    %swap3A_60 = vector.load %arg6[%swap3A_58, %swap3A_59] : memref<1024x256xf32, #tpu.memory_space<vmem>>, vector<1024x256xf32>
    tpu.vector_store %arg6[%swap3A_58, %swap3A_59], %min3A_57 {strides = array<i32>} : memref<1024x256xf32, #tpu.memory_space<vmem>>, vector<1024x256xf32>,
    %get3A_61 = arith.constant 0 : index
    %get3A_62 = arith.constant 0 : index
    %get3A_63 = vector.load %arg7[%get3A_61, %get3A_62] : memref<1024x256xi8, #tpu.memory_space<vmem>>, vector<1024x256xi8>
    %jit3A_64 = arith.constant 1 : i8
    %broadcast_in_dim3A_65 = vector.broadcast %jit3A_64 : i8 to vector<1024x256xi8>
    %select_n3A_66 = arith.select %lt3A_56, %broadcast_in_dim3A_65, %get3A_63 : vector<1024x256xi1>, vector<1024x256xi8>
    %swap3A_67 = arith.constant 0 : index
    %swap3A_68 = arith.constant 0 : index
    %swap3A_69 = vector.load %arg7[%swap3A_67, %swap3A_68] : memref<1024x256xi8, #tpu.memory_space<vmem>>, vector<1024x256xi8>
    tpu.vector_store %arg7[%swap3A_67, %swap3A_68], %select_n3A_66 {strides = array<i32>} : memref<1024x256xi8, #tpu.memory_space<vmem>>, vector<1024x256xi8>,
    %get3A_70 = arith.constant 512 : index
    %get3A_71 = arith.constant 0 : index
    %get3A_72 = vector.load %arg2[%get3A_70, %get3A_71] : memref<8192x256xf32, #tpu.memory_space<vmem>>, vector<256x256xf32>
    %dot_general3A_73 = arith.constant dense<0.000000e+00> : vector<1024x256xf32>
    %dot_general3A_74 = tpu.matmul %add3A, %get3A_72, %dot_general3A_73 {dimension_numbers = #tpu.dot_dimension_numbers<[1], [1], [0], [0], [0, 0, 1, 0], [], []>, transpose_lhs_hint = false} : vector<1024x256xf32>, vector<256x256xf32>, vector<1024x256xf32> -> vector<1024x256xf32>
    %get3A_75 = arith.constant 0 : index
    %get3A_76 = arith.constant 512 : index
    %get3A_77 = vector.load %arg5[%get3A_75, %get3A_76] : memref<1x8192xf32, #tpu.memory_space<vmem>>, vector<1x256xf32>
    %get3A_78 = vector.shape_cast %get3A_77 : vector<1x256xf32> to vector<256xf32>
    %sub3A_79 = vector.broadcast %broadcast_in_dim3A : vector<1024x1xf32> to vector<1024x256xf32>
    %sub3A_80 = arith.subf %sub3A_79, %dot_general3A_74 : vector<1024x256xf32>
    %broadcast_in_dim3A_81 = vector.shape_cast %get3A_78 : vector<256xf32> to vector<1x256xf32>
    %add3A_82 = vector.broadcast %broadcast_in_dim3A_81 : vector<1x256xf32> to vector<1024x256xf32>
    %add3A_83 = arith.addf %sub3A_80, %add3A_82 : vector<1024x256xf32>
    %get3A_84 = arith.constant 0 : index
    %get3A_85 = arith.constant 0 : index
    %get3A_86 = vector.load %arg6[%get3A_84, %get3A_85] : memref<1024x256xf32, #tpu.memory_space<vmem>>, vector<1024x256xf32>
    %lt3A_87 = arith.cmpf olt, %add3A_83, %get3A_86 : vector<1024x256xf32>
    %min3A_88 = arith.minimumf %get3A_86, %add3A_83 : vector<1024x256xf32>
    %swap3A_89 = arith.constant 0 : index
    %swap3A_90 = arith.constant 0 : index
    %swap3A_91 = vector.load %arg6[%swap3A_89, %swap3A_90] : memref<1024x256xf32, #tpu.memory_space<vmem>>, vector<1024x256xf32>
    tpu.vector_store %arg6[%swap3A_89, %swap3A_90], %min3A_88 {strides = array<i32>} : memref<1024x256xf32, #tpu.memory_space<vmem>>, vector<1024x256xf32>,
    %get3A_92 = arith.constant 0 : index
    %get3A_93 = arith.constant 0 : index
    %get3A_94 = vector.load %arg7[%get3A_92, %get3A_93] : memref<1024x256xi8, #tpu.memory_space<vmem>>, vector<1024x256xi8>
    %jit3A_95 = arith.constant 2 : i8
    %broadcast_in_dim3A_96 = vector.broadcast %jit3A_95 : i8 to vector<1024x256xi8>
    %select_n3A_97 = arith.select %lt3A_87, %broadcast_in_dim3A_96, %get3A_94 : vector<1024x256xi1>, vector<1024x256xi8>
    %swap3A_98 = arith.constant 0 : index
    %swap3A_99 = arith.constant 0 : index
    %swap3A_100 = vector.load %arg7[%swap3A_98, %swap3A_99] : memref<1024x256xi8, #tpu.memory_space<vmem>>, vector<1024x256xi8>
    tpu.vector_store %arg7[%swap3A_98, %swap3A_99], %select_n3A_97 {strides = array<i32>} : memref<1024x256xi8, #tpu.memory_space<vmem>>, vector<1024x256xi8>,
    %get3A_101 = arith.constant 768 : index
    %get3A_102 = arith.constant 0 : index
    %get3A_103 = vector.load %arg2[%get3A_101, %get3A_102] : memref<8192x256xf32, #tpu.memory_space<vmem>>, vector<256x256xf32>
    %dot_general3A_104 = arith.constant dense<0.000000e+00> : vector<1024x256xf32>
    %dot_general3A_105 = tpu.matmul %add3A, %get3A_103, %dot_general3A_104 {dimension_numbers = #tpu.dot_dimension_numbers<[1], [1], [0], [0], [0, 0, 1, 0], [], []>, transpose_lhs_hint = false} : vector<1024x256xf32>, vector<256x256xf32>, vector<1024x256xf32> -> vector<1024x256xf32>
    %get3A_106 = arith.constant 0 : index
    %get3A_107 = arith.constant 768 : index
    %get3A_108 = vector.load %arg5[%get3A_106, %get3A_107] : memref<1x8192xf32, #tpu.memory_space<vmem>>, vector<1x256xf32>
    %get3A_109 = vector.shape_cast %get3A_108 : vector<1x256xf32> to vector<256xf32>
    %sub3A_110 = vector.broadcast %broadcast_in_dim3A : vector<1024x1xf32> to vector<1024x256xf32>
    %sub3A_111 = arith.subf %sub3A_110, %dot_general3A_105 : vector<1024x256xf32>
    %broadcast_in_dim3A_112 = vector.shape_cast %get3A_109 : vector<256xf32> to vector<1x256xf32>
    %add3A_113 = vector.broadcast %broadcast_in_dim3A_112 : vector<1x256xf32> to vector<1024x256xf32>
    %add3A_114 = arith.addf %sub3A_111, %add3A_113 : vector<1024x256xf32>
    %get3A_115 = arith.constant 0 : index
    %get3A_116 = arith.constant 0 : index
    %get3A_117 = vector.load %arg6[%get3A_115, %get3A_116] : memref<1024x256xf32, #tpu.memory_space<vmem>>, vector<1024x256xf32>
    %lt3A_118 = arith.cmpf olt, %add3A_114, %get3A_117 : vector<1024x256xf32>
    %min3A_119 = arith.minimumf %get3A_117, %add3A_114 : vector<1024x256xf32>
    %swap3A_120 = arith.constant 0 : index
    %swap3A_121 = arith.constant 0 : index
    %swap3A_122 = vector.load %arg6[%swap3A_120, %swap3A_121] : memref<1024x256xf32, #tpu.memory_space<vmem>>, vector<1024x256xf32>
    tpu.vector_store %arg6[%swap3A_120, %swap3A_121], %min3A_119 {strides = array<i32>} : memref<1024x256xf32, #tpu.memory_space<vmem>>, vector<1024x256xf32>,
    %get3A_123 = arith.constant 0 : index
    %get3A_124 = arith.constant 0 : index
    %get3A_125 = vector.load %arg7[%get3A_123, %get3A_124] : memref<1024x256xi8, #tpu.memory_space<vmem>>, vector<1024x256xi8>
    %jit3A_126 = arith.constant 3 : i8
    %broadcast_in_dim3A_127 = vector.broadcast %jit3A_126 : i8 to vector<1024x256xi8>
    %select_n3A_128 = arith.select %lt3A_118, %broadcast_in_dim3A_127, %get3A_125 : vector<1024x256xi1>, vector<1024x256xi8>
    %swap3A_129 = arith.constant 0 : index
    %swap3A_130 = arith.constant 0 : index
    %swap3A_131 = vector.load %arg7[%swap3A_129, %swap3A_130] : memref<1024x256xi8, #tpu.memory_space<vmem>>, vector<1024x256xi8>
    tpu.vector_store %arg7[%swap3A_129, %swap3A_130], %select_n3A_128 {strides = array<i32>} : memref<1024x256xi8, #tpu.memory_space<vmem>>, vector<1024x256xi8>,
    %get3A_132 = arith.constant 1024 : index
    %get3A_133 = arith.constant 0 : index
    %get3A_134 = vector.load %arg2[%get3A_132, %get3A_133] : memref<8192x256xf32, #tpu.memory_space<vmem>>, vector<256x256xf32>
    %dot_general3A_135 = arith.constant dense<0.000000e+00> : vector<1024x256xf32>
    %dot_general3A_136 = tpu.matmul %add3A, %get3A_134, %dot_general3A_135 {dimension_numbers = #tpu.dot_dimension_numbers<[1], [1], [0], [0], [0, 0, 1, 0], [], []>, transpose_lhs_hint = false} : vector<1024x256xf32>, vector<256x256xf32>, vector<1024x256xf32> -> vector<1024x256xf32>
    %get3A_137 = arith.constant 0 : index
    %get3A_138 = arith.constant 1024 : index
    %get3A_139 = vector.load %arg5[%get3A_137, %get3A_138] : memref<1x8192xf32, #tpu.memory_space<vmem>>, vector<1x256xf32>
    %get3A_140 = vector.shape_cast %get3A_139 : vector<1x256xf32> to vector<256xf32>
    %sub3A_141 = vector.broadcast %broadcast_in_dim3A : vector<1024x1xf32> to vector<1024x256xf32>
    %sub3A_142 = arith.subf %sub3A_141, %dot_general3A_136 : vector<1024x256xf32>
    %broadcast_in_dim3A_143 = vector.shape_cast %get3A_140 : vector<256xf32> to vector<1x256xf32>
    %add3A_144 = vector.broadcast %broadcast_in_dim3A_143 : vector<1x256xf32> to vector<1024x256xf32>
    %add3A_145 = arith.addf %sub3A_142, %add3A_144 : vector<1024x256xf32>
    %get3A_146 = arith.constant 0 : index
    %get3A_147 = arith.constant 0 : index
    %get3A_148 = vector.load %arg6[%get3A_146, %get3A_147] : memref<1024x256xf32, #tpu.memory_space<vmem>>, vector<1024x256xf32>
    %lt3A_149 = arith.cmpf olt, %add3A_145, %get3A_148 : vector<1024x256xf32>
    %min3A_150 = arith.minimumf %get3A_148, %add3A_145 : vector<1024x256xf32>
    %swap3A_151 = arith.constant 0 : index
    %swap3A_152 = arith.constant 0 : index
    %swap3A_153 = vector.load %arg6[%swap3A_151, %swap3A_152] : memref<1024x256xf32, #tpu.memory_space<vmem>>, vector<1024x256xf32>
    tpu.vector_store %arg6[%swap3A_151, %swap3A_152], %min3A_150 {strides = array<i32>} : memref<1024x256xf32, #tpu.memory_space<vmem>>, vector<1024x256xf32>,
    %get3A_154 = arith.constant 0 : index
    %get3A_155 = arith.constant 0 : index
    %get3A_156 = vector.load %arg7[%get3A_154, %get3A_155] : memref<1024x256xi8, #tpu.memory_space<vmem>>, vector<1024x256xi8>
    %jit3A_157 = arith.constant 4 : i8
    %broadcast_in_dim3A_158 = vector.broadcast %jit3A_157 : i8 to vector<1024x256xi8>
    %select_n3A_159 = arith.select %lt3A_149, %broadcast_in_dim3A_158, %get3A_156 : vector<1024x256xi1>, vector<1024x256xi8>
    %swap3A_160 = arith.constant 0 : index
    %swap3A_161 = arith.constant 0 : index
    %swap3A_162 = vector.load %arg7[%swap3A_160, %swap3A_161] : memref<1024x256xi8, #tpu.memory_space<vmem>>, vector<1024x256xi8>
    tpu.vector_store %arg7[%swap3A_160, %swap3A_161], %select_n3A_159 {strides = array<i32>} : memref<1024x256xi8, #tpu.memory_space<vmem>>, vector<1024x256xi8>,
    %get3A_163 = arith.constant 1280 : index
    %get3A_164 = arith.constant 0 : index
    %get3A_165 = vector.load %arg2[%get3A_163, %get3A_164] : memref<8192x256xf32, #tpu.memory_space<vmem>>, vector<256x256xf32>
    %dot_general3A_166 = arith.constant dense<0.000000e+00> : vector<1024x256xf32>
    %dot_general3A_167 = tpu.matmul %add3A, %get3A_165, %dot_general3A_166 {dimension_numbers = #tpu.dot_dimension_numbers<[1], [1], [0], [0], [0, 0, 1, 0], [], []>, transpose_lhs_hint = false} : vector<1024x256xf32>, vector<256x256xf32>, vector<1024x256xf32> -> vector<1024x256xf32>
    %get3A_168 = arith.constant 0 : index
    %get3A_169 = arith.constant 1280 : index
    %get3A_170 = vector.load %arg5[%get3A_168, %get3A_169] : memref<1x8192xf32, #tpu.memory_space<vmem>>, vector<1x256xf32>
    %get3A_171 = vector.shape_cast %get3A_170 : vector<1x256xf32> to vector<256xf32>
    %sub3A_172 = vector.broadcast %broadcast_in_dim3A : vector<1024x1xf32> to vector<1024x256xf32>
    %sub3A_173 = arith.subf %sub3A_172, %dot_general3A_167 : vector<1024x256xf32>
    %broadcast_in_dim3A_174 = vector.shape_cast %get3A_171 : vector<256xf32> to vector<1x256xf32>
    %add3A_175 = vector.broadcast %broadcast_in_dim3A_174 : vector<1x256xf32> to vector<1024x256xf32>
    %add3A_176 = arith.addf %sub3A_173, %add3A_175 : vector<1024x256xf32>
    %get3A_177 = arith.constant 0 : index
    %get3A_178 = arith.constant 0 : index
    %get3A_179 = vector.load %arg6[%get3A_177, %get3A_178] : memref<1024x256xf32, #tpu.memory_space<vmem>>, vector<1024x256xf32>
    %lt3A_180 = arith.cmpf olt, %add3A_176, %get3A_179 : vector<1024x256xf32>
    %min3A_181 = arith.minimumf %get3A_179, %add3A_176 : vector<1024x256xf32>
    %swap3A_182 = arith.constant 0 : index
    %swap3A_183 = arith.constant 0 : index
    %swap3A_184 = vector.load %arg6[%swap3A_182, %swap3A_183] : memref<1024x256xf32, #tpu.memory_space<vmem>>, vector<1024x256xf32>
    tpu.vector_store %arg6[%swap3A_182, %swap3A_183], %min3A_181 {strides = array<i32>} : memref<1024x256xf32, #tpu.memory_space<vmem>>, vector<1024x256xf32>,
    %get3A_185 = arith.constant 0 : index
    %get3A_186 = arith.constant 0 : index
    %get3A_187 = vector.load %arg7[%get3A_185, %get3A_186] : memref<1024x256xi8, #tpu.memory_space<vmem>>, vector<1024x256xi8>
    %jit3A_188 = arith.constant 5 : i8
    %broadcast_in_dim3A_189 = vector.broadcast %jit3A_188 : i8 to vector<1024x256xi8>
    %select_n3A_190 = arith.select %lt3A_180, %broadcast_in_dim3A_189, %get3A_187 : vector<1024x256xi1>, vector<1024x256xi8>
    %swap3A_191 = arith.constant 0 : index
    %swap3A_192 = arith.constant 0 : index
    %swap3A_193 = vector.load %arg7[%swap3A_191, %swap3A_192] : memref<1024x256xi8, #tpu.memory_space<vmem>>, vector<1024x256xi8>
    tpu.vector_store %arg7[%swap3A_191, %swap3A_192], %select_n3A_190 {strides = array<i32>} : memref<1024x256xi8, #tpu.memory_space<vmem>>, vector<1024x256xi8>,
    %get3A_194 = arith.constant 1536 : index
    %get3A_195 = arith.constant 0 : index
    %get3A_196 = vector.load %arg2[%get3A_194, %get3A_195] : memref<8192x256xf32, #tpu.memory_space<vmem>>, vector<256x256xf32>
    %dot_general3A_197 = arith.constant dense<0.000000e+00> : vector<1024x256xf32>
    %dot_general3A_198 = tpu.matmul %add3A, %get3A_196, %dot_general3A_197 {dimension_numbers = #tpu.dot_dimension_numbers<[1], [1], [0], [0], [0, 0, 1, 0], [], []>, transpose_lhs_hint = false} : vector<1024x256xf32>, vector<256x256xf32>, vector<1024x256xf32> -> vector<1024x256xf32>
    %get3A_199 = arith.constant 0 : index
    %get3A_200 = arith.constant 1536 : index
    %get3A_201 = vector.load %arg5[%get3A_199, %get3A_200] : memref<1x8192xf32, #tpu.memory_space<vmem>>, vector<1x256xf32>
    %get3A_202 = vector.shape_cast %get3A_201 : vector<1x256xf32> to vector<256xf32>
    %sub3A_203 = vector.broadcast %broadcast_in_dim3A : vector<1024x1xf32> to vector<1024x256xf32>
    %sub3A_204 = arith.subf %sub3A_203, %dot_general3A_198 : vector<1024x256xf32>
    %broadcast_in_dim3A_205 = vector.shape_cast %get3A_202 : vector<256xf32> to vector<1x256xf32>
    %add3A_206 = vector.broadcast %broadcast_in_dim3A_205 : vector<1x256xf32> to vector<1024x256xf32>
    %add3A_207 = arith.addf %sub3A_204, %add3A_206 : vector<1024x256xf32>
    %get3A_208 = arith.constant 0 : index
    %get3A_209 = arith.constant 0 : index
    %get3A_210 = vector.load %arg6[%get3A_208, %get3A_209] : memref<1024x256xf32, #tpu.memory_space<vmem>>, vector<1024x256xf32>
    %lt3A_211 = arith.cmpf olt, %add3A_207, %get3A_210 : vector<1024x256xf32>
    %min3A_212 = arith.minimumf %get3A_210, %add3A_207 : vector<1024x256xf32>
    %swap3A_213 = arith.constant 0 : index
    %swap3A_214 = arith.constant 0 : index
    %swap3A_215 = vector.load %arg6[%swap3A_213, %swap3A_214] : memref<1024x256xf32, #tpu.memory_space<vmem>>, vector<1024x256xf32>
    tpu.vector_store %arg6[%swap3A_213, %swap3A_214], %min3A_212 {strides = array<i32>} : memref<1024x256xf32, #tpu.memory_space<vmem>>, vector<1024x256xf32>,
    %get3A_216 = arith.constant 0 : index
    %get3A_217 = arith.constant 0 : index
    %get3A_218 = vector.load %arg7[%get3A_216, %get3A_217] : memref<1024x256xi8, #tpu.memory_space<vmem>>, vector<1024x256xi8>
    %jit3A_219 = arith.constant 6 : i8
    %broadcast_in_dim3A_220 = vector.broadcast %jit3A_219 : i8 to vector<1024x256xi8>
    %select_n3A_221 = arith.select %lt3A_211, %broadcast_in_dim3A_220, %get3A_218 : vector<1024x256xi1>, vector<1024x256xi8>
    %swap3A_222 = arith.constant 0 : index
    %swap3A_223 = arith.constant 0 : index
    %swap3A_224 = vector.load %arg7[%swap3A_222, %swap3A_223] : memref<1024x256xi8, #tpu.memory_space<vmem>>, vector<1024x256xi8>
    tpu.vector_store %arg7[%swap3A_222, %swap3A_223], %select_n3A_221 {strides = array<i32>} : memref<1024x256xi8, #tpu.memory_space<vmem>>, vector<1024x256xi8>,
    %get3A_225 = arith.constant 1792 : index
    %get3A_226 = arith.constant 0 : index
    %get3A_227 = vector.load %arg2[%get3A_225, %get3A_226] : memref<8192x256xf32, #tpu.memory_space<vmem>>, vector<256x256xf32>
    %dot_general3A_228 = arith.constant dense<0.000000e+00> : vector<1024x256xf32>
    %dot_general3A_229 = tpu.matmul %add3A, %get3A_227, %dot_general3A_228 {dimension_numbers = #tpu.dot_dimension_numbers<[1], [1], [0], [0], [0, 0, 1, 0], [], []>, transpose_lhs_hint = false} : vector<1024x256xf32>, vector<256x256xf32>, vector<1024x256xf32> -> vector<1024x256xf32>
    %get3A_230 = arith.constant 0 : index
    %get3A_231 = arith.constant 1792 : index
    %get3A_232 = vector.load %arg5[%get3A_230, %get3A_231] : memref<1x8192xf32, #tpu.memory_space<vmem>>, vector<1x256xf32>
    %get3A_233 = vector.shape_cast %get3A_232 : vector<1x256xf32> to vector<256xf32>
    %sub3A_234 = vector.broadcast %broadcast_in_dim3A : vector<1024x1xf32> to vector<1024x256xf32>
    %sub3A_235 = arith.subf %sub3A_234, %dot_general3A_229 : vector<1024x256xf32>
    %broadcast_in_dim3A_236 = vector.shape_cast %get3A_233 : vector<256xf32> to vector<1x256xf32>
    %add3A_237 = vector.broadcast %broadcast_in_dim3A_236 : vector<1x256xf32> to vector<1024x256xf32>
    %add3A_238 = arith.addf %sub3A_235, %add3A_237 : vector<1024x256xf32>
    %get3A_239 = arith.constant 0 : index
    %get3A_240 = arith.constant 0 : index
    %get3A_241 = vector.load %arg6[%get3A_239, %get3A_240] : memref<1024x256xf32, #tpu.memory_space<vmem>>, vector<1024x256xf32>
    %lt3A_242 = arith.cmpf olt, %add3A_238, %get3A_241 : vector<1024x256xf32>
    %min3A_243 = arith.minimumf %get3A_241, %add3A_238 : vector<1024x256xf32>
    %swap3A_244 = arith.constant 0 : index
    %swap3A_245 = arith.constant 0 : index
    %swap3A_246 = vector.load %arg6[%swap3A_244, %swap3A_245] : memref<1024x256xf32, #tpu.memory_space<vmem>>, vector<1024x256xf32>
    tpu.vector_store %arg6[%swap3A_244, %swap3A_245], %min3A_243 {strides = array<i32>} : memref<1024x256xf32, #tpu.memory_space<vmem>>, vector<1024x256xf32>,
    %get3A_247 = arith.constant 0 : index
    %get3A_248 = arith.constant 0 : index
    %get3A_249 = vector.load %arg7[%get3A_247, %get3A_248] : memref<1024x256xi8, #tpu.memory_space<vmem>>, vector<1024x256xi8>
    %jit3A_250 = arith.constant 7 : i8
    %broadcast_in_dim3A_251 = vector.broadcast %jit3A_250 : i8 to vector<1024x256xi8>
    %select_n3A_252 = arith.select %lt3A_242, %broadcast_in_dim3A_251, %get3A_249 : vector<1024x256xi1>, vector<1024x256xi8>
    %swap3A_253 = arith.constant 0 : index
    %swap3A_254 = arith.constant 0 : index
    %swap3A_255 = vector.load %arg7[%swap3A_253, %swap3A_254] : memref<1024x256xi8, #tpu.memory_space<vmem>>, vector<1024x256xi8>
    tpu.vector_store %arg7[%swap3A_253, %swap3A_254], %select_n3A_252 {strides = array<i32>} : memref<1024x256xi8, #tpu.memory_space<vmem>>, vector<1024x256xi8>,
    %get3A_256 = arith.constant 2048 : index
    %get3A_257 = arith.constant 0 : index
    %get3A_258 = vector.load %arg2[%get3A_256, %get3A_257] : memref<8192x256xf32, #tpu.memory_space<vmem>>, vector<256x256xf32>
    %dot_general3A_259 = arith.constant dense<0.000000e+00> : vector<1024x256xf32>
    %dot_general3A_260 = tpu.matmul %add3A, %get3A_258, %dot_general3A_259 {dimension_numbers = #tpu.dot_dimension_numbers<[1], [1], [0], [0], [0, 0, 1, 0], [], []>, transpose_lhs_hint = false} : vector<1024x256xf32>, vector<256x256xf32>, vector<1024x256xf32> -> vector<1024x256xf32>
    %get3A_261 = arith.constant 0 : index
    %get3A_262 = arith.constant 2048 : index
    %get3A_263 = vector.load %arg5[%get3A_261, %get3A_262] : memref<1x8192xf32, #tpu.memory_space<vmem>>, vector<1x256xf32>
    %get3A_264 = vector.shape_cast %get3A_263 : vector<1x256xf32> to vector<256xf32>
    %sub3A_265 = vector.broadcast %broadcast_in_dim3A : vector<1024x1xf32> to vector<1024x256xf32>
    %sub3A_266 = arith.subf %sub3A_265, %dot_general3A_260 : vector<1024x256xf32>
    %broadcast_in_dim3A_267 = vector.shape_cast %get3A_264 : vector<256xf32> to vector<1x256xf32>
    %add3A_268 = vector.broadcast %broadcast_in_dim3A_267 : vector<1x256xf32> to vector<1024x256xf32>
    %add3A_269 = arith.addf %sub3A_266, %add3A_268 : vector<1024x256xf32>
    %get3A_270 = arith.constant 0 : index
    %get3A_271 = arith.constant 0 : index
    %get3A_272 = vector.load %arg6[%get3A_270, %get3A_271] : memref<1024x256xf32, #tpu.memory_space<vmem>>, vector<1024x256xf32>
    %lt3A_273 = arith.cmpf olt, %add3A_269, %get3A_272 : vector<1024x256xf32>
    %min3A_274 = arith.minimumf %get3A_272, %add3A_269 : vector<1024x256xf32>
    %swap3A_275 = arith.constant 0 : index
    %swap3A_276 = arith.constant 0 : index
    %swap3A_277 = vector.load %arg6[%swap3A_275, %swap3A_276] : memref<1024x256xf32, #tpu.memory_space<vmem>>, vector<1024x256xf32>
    tpu.vector_store %arg6[%swap3A_275, %swap3A_276], %min3A_274 {strides = array<i32>} : memref<1024x256xf32, #tpu.memory_space<vmem>>, vector<1024x256xf32>,
    %get3A_278 = arith.constant 0 : index
    %get3A_279 = arith.constant 0 : index
    %get3A_280 = vector.load %arg7[%get3A_278, %get3A_279] : memref<1024x256xi8, #tpu.memory_space<vmem>>, vector<1024x256xi8>
    %jit3A_281 = arith.constant 8 : i8
    %broadcast_in_dim3A_282 = vector.broadcast %jit3A_281 : i8 to vector<1024x256xi8>
    %select_n3A_283 = arith.select %lt3A_273, %broadcast_in_dim3A_282, %get3A_280 : vector<1024x256xi1>, vector<1024x256xi8>
    %swap3A_284 = arith.constant 0 : index
    %swap3A_285 = arith.constant 0 : index
    %swap3A_286 = vector.load %arg7[%swap3A_284, %swap3A_285] : memref<1024x256xi8, #tpu.memory_space<vmem>>, vector<1024x256xi8>
    tpu.vector_store %arg7[%swap3A_284, %swap3A_285], %select_n3A_283 {strides = array<i32>} : memref<1024x256xi8, #tpu.memory_space<vmem>>, vector<1024x256xi8>,
    %get3A_287 = arith.constant 2304 : index
    %get3A_288 = arith.constant 0 : index
    %get3A_289 = vector.load %arg2[%get3A_287, %get3A_288] : memref<8192x256xf32, #tpu.memory_space<vmem>>, vector<256x256xf32>
    %dot_general3A_290 = arith.constant dense<0.000000e+00> : vector<1024x256xf32>
    %dot_general3A_291 = tpu.matmul %add3A, %get3A_289, %dot_general3A_290 {dimension_numbers = #tpu.dot_dimension_numbers<[1], [1], [0], [0], [0, 0, 1, 0], [], []>, transpose_lhs_hint = false} : vector<1024x256xf32>, vector<256x256xf32>, vector<1024x256xf32> -> vector<1024x256xf32>
    %get3A_292 = arith.constant 0 : index
    %get3A_293 = arith.constant 2304 : index
    %get3A_294 = vector.load %arg5[%get3A_292, %get3A_293] : memref<1x8192xf32, #tpu.memory_space<vmem>>, vector<1x256xf32>
    %get3A_295 = vector.shape_cast %get3A_294 : vector<1x256xf32> to vector<256xf32>
    %sub3A_296 = vector.broadcast %broadcast_in_dim3A : vector<1024x1xf32> to vector<1024x256xf32>
    %sub3A_297 = arith.subf %sub3A_296, %dot_general3A_291 : vector<1024x256xf32>
    %broadcast_in_dim3A_298 = vector.shape_cast %get3A_295 : vector<256xf32> to vector<1x256xf32>
    %add3A_299 = vector.broadcast %broadcast_in_dim3A_298 : vector<1x256xf32> to vector<1024x256xf32>
    %add3A_300 = arith.addf %sub3A_297, %add3A_299 : vector<1024x256xf32>
    %get3A_301 = arith.constant 0 : index
    %get3A_302 = arith.constant 0 : index
    %get3A_303 = vector.load %arg6[%get3A_301, %get3A_302] : memref<1024x256xf32, #tpu.memory_space<vmem>>, vector<1024x256xf32>
    %lt3A_304 = arith.cmpf olt, %add3A_300, %get3A_303 : vector<1024x256xf32>
    %min3A_305 = arith.minimumf %get3A_303, %add3A_300 : vector<1024x256xf32>
    %swap3A_306 = arith.constant 0 : index
    %swap3A_307 = arith.constant 0 : index
    %swap3A_308 = vector.load %arg6[%swap3A_306, %swap3A_307] : memref<1024x256xf32, #tpu.memory_space<vmem>>, vector<1024x256xf32>
    tpu.vector_store %arg6[%swap3A_306, %swap3A_307], %min3A_305 {strides = array<i32>} : memref<1024x256xf32, #tpu.memory_space<vmem>>, vector<1024x256xf32>,
    %get3A_309 = arith.constant 0 : index
    %get3A_310 = arith.constant 0 : index
    %get3A_311 = vector.load %arg7[%get3A_309, %get3A_310] : memref<1024x256xi8, #tpu.memory_space<vmem>>, vector<1024x256xi8>
    %jit3A_312 = arith.constant 9 : i8
    %broadcast_in_dim3A_313 = vector.broadcast %jit3A_312 : i8 to vector<1024x256xi8>
    %select_n3A_314 = arith.select %lt3A_304, %broadcast_in_dim3A_313, %get3A_311 : vector<1024x256xi1>, vector<1024x256xi8>
    %swap3A_315 = arith.constant 0 : index
    %swap3A_316 = arith.constant 0 : index
    %swap3A_317 = vector.load %arg7[%swap3A_315, %swap3A_316] : memref<1024x256xi8, #tpu.memory_space<vmem>>, vector<1024x256xi8>
    tpu.vector_store %arg7[%swap3A_315, %swap3A_316], %select_n3A_314 {strides = array<i32>} : memref<1024x256xi8, #tpu.memory_space<vmem>>, vector<1024x256xi8>,
    %get3A_318 = arith.constant 2560 : index
    %get3A_319 = arith.constant 0 : index
    %get3A_320 = vector.load %arg2[%get3A_318, %get3A_319] : memref<8192x256xf32, #tpu.memory_space<vmem>>, vector<256x256xf32>
    %dot_general3A_321 = arith.constant dense<0.000000e+00> : vector<1024x256xf32>
    %dot_general3A_322 = tpu.matmul %add3A, %get3A_320, %dot_general3A_321 {dimension_numbers = #tpu.dot_dimension_numbers<[1], [1], [0], [0], [0, 0, 1, 0], [], []>, transpose_lhs_hint = false} : vector<1024x256xf32>, vector<256x256xf32>, vector<1024x256xf32> -> vector<1024x256xf32>
    %get3A_323 = arith.constant 0 : index
    %get3A_324 = arith.constant 2560 : index
    %get3A_325 = vector.load %arg5[%get3A_323, %get3A_324] : memref<1x8192xf32, #tpu.memory_space<vmem>>, vector<1x256xf32>
    %get3A_326 = vector.shape_cast %get3A_325 : vector<1x256xf32> to vector<256xf32>
    %sub3A_327 = vector.broadcast %broadcast_in_dim3A : vector<1024x1xf32> to vector<1024x256xf32>
    %sub3A_328 = arith.subf %sub3A_327, %dot_general3A_322 : vector<1024x256xf32>
    %broadcast_in_dim3A_329 = vector.shape_cast %get3A_326 : vector<256xf32> to vector<1x256xf32>
    %add3A_330 = vector.broadcast %broadcast_in_dim3A_329 : vector<1x256xf32> to vector<1024x256xf32>
    %add3A_331 = arith.addf %sub3A_328, %add3A_330 : vector<1024x256xf32>
    %get3A_332 = arith.constant 0 : index
    %get3A_333 = arith.constant 0 : index
    %get3A_334 = vector.load %arg6[%get3A_332, %get3A_333] : memref<1024x256xf32, #tpu.memory_space<vmem>>, vector<1024x256xf32>
    %lt3A_335 = arith.cmpf olt, %add3A_331, %get3A_334 : vector<1024x256xf32>
    %min3A_336 = arith.minimumf %get3A_334, %add3A_331 : vector<1024x256xf32>
    %swap3A_337 = arith.constant 0 : index
    %swap3A_338 = arith.constant 0 : index
    %swap3A_339 = vector.load %arg6[%swap3A_337, %swap3A_338] : memref<1024x256xf32, #tpu.memory_space<vmem>>, vector<1024x256xf32>
    tpu.vector_store %arg6[%swap3A_337, %swap3A_338], %min3A_336 {strides = array<i32>} : memref<1024x256xf32, #tpu.memory_space<vmem>>, vector<1024x256xf32>,
    %get3A_340 = arith.constant 0 : index
    %get3A_341 = arith.constant 0 : index
    %get3A_342 = vector.load %arg7[%get3A_340, %get3A_341] : memref<1024x256xi8, #tpu.memory_space<vmem>>, vector<1024x256xi8>
    %jit3A_343 = arith.constant 10 : i8
    %broadcast_in_dim3A_344 = vector.broadcast %jit3A_343 : i8 to vector<1024x256xi8>
    %select_n3A_345 = arith.select %lt3A_335, %broadcast_in_dim3A_344, %get3A_342 : vector<1024x256xi1>, vector<1024x256xi8>
    %swap3A_346 = arith.constant 0 : index
    %swap3A_347 = arith.constant 0 : index
    %swap3A_348 = vector.load %arg7[%swap3A_346, %swap3A_347] : memref<1024x256xi8, #tpu.memory_space<vmem>>, vector<1024x256xi8>
    tpu.vector_store %arg7[%swap3A_346, %swap3A_347], %select_n3A_345 {strides = array<i32>} : memref<1024x256xi8, #tpu.memory_space<vmem>>, vector<1024x256xi8>,
    %get3A_349 = arith.constant 2816 : index
    %get3A_350 = arith.constant 0 : index
    %get3A_351 = vector.load %arg2[%get3A_349, %get3A_350] : memref<8192x256xf32, #tpu.memory_space<vmem>>, vector<256x256xf32>
    %dot_general3A_352 = arith.constant dense<0.000000e+00> : vector<1024x256xf32>
    %dot_general3A_353 = tpu.matmul %add3A, %get3A_351, %dot_general3A_352 {dimension_numbers = #tpu.dot_dimension_numbers<[1], [1], [0], [0], [0, 0, 1, 0], [], []>, transpose_lhs_hint = false} : vector<1024x256xf32>, vector<256x256xf32>, vector<1024x256xf32> -> vector<1024x256xf32>
    %get3A_354 = arith.constant 0 : index
    %get3A_355 = arith.constant 2816 : index
    %get3A_356 = vector.load %arg5[%get3A_354, %get3A_355] : memref<1x8192xf32, #tpu.memory_space<vmem>>, vector<1x256xf32>
    %get3A_357 = vector.shape_cast %get3A_356 : vector<1x256xf32> to vector<256xf32>
    %sub3A_358 = vector.broadcast %broadcast_in_dim3A : vector<1024x1xf32> to vector<1024x256xf32>
    %sub3A_359 = arith.subf %sub3A_358, %dot_general3A_353 : vector<1024x256xf32>
    %broadcast_in_dim3A_360 = vector.shape_cast %get3A_357 : vector<256xf32> to vector<1x256xf32>
    %add3A_361 = vector.broadcast %broadcast_in_dim3A_360 : vector<1x256xf32> to vector<1024x256xf32>
    %add3A_362 = arith.addf %sub3A_359, %add3A_361 : vector<1024x256xf32>
    %get3A_363 = arith.constant 0 : index
    %get3A_364 = arith.constant 0 : index
    %get3A_365 = vector.load %arg6[%get3A_363, %get3A_364] : memref<1024x256xf32, #tpu.memory_space<vmem>>, vector<1024x256xf32>
    %lt3A_366 = arith.cmpf olt, %add3A_362, %get3A_365 : vector<1024x256xf32>
    %min3A_367 = arith.minimumf %get3A_365, %add3A_362 : vector<1024x256xf32>
    %swap3A_368 = arith.constant 0 : index
    %swap3A_369 = arith.constant 0 : index
    %swap3A_370 = vector.load %arg6[%swap3A_368, %swap3A_369] : memref<1024x256xf32, #tpu.memory_space<vmem>>, vector<1024x256xf32>
    tpu.vector_store %arg6[%swap3A_368, %swap3A_369], %min3A_367 {strides = array<i32>} : memref<1024x256xf32, #tpu.memory_space<vmem>>, vector<1024x256xf32>,
    %get3A_371 = arith.constant 0 : index
    %get3A_372 = arith.constant 0 : index
    %get3A_373 = vector.load %arg7[%get3A_371, %get3A_372] : memref<1024x256xi8, #tpu.memory_space<vmem>>, vector<1024x256xi8>
    %jit3A_374 = arith.constant 11 : i8
    %broadcast_in_dim3A_375 = vector.broadcast %jit3A_374 : i8 to vector<1024x256xi8>
    %select_n3A_376 = arith.select %lt3A_366, %broadcast_in_dim3A_375, %get3A_373 : vector<1024x256xi1>, vector<1024x256xi8>
    %swap3A_377 = arith.constant 0 : index
    %swap3A_378 = arith.constant 0 : index
    %swap3A_379 = vector.load %arg7[%swap3A_377, %swap3A_378] : memref<1024x256xi8, #tpu.memory_space<vmem>>, vector<1024x256xi8>
    tpu.vector_store %arg7[%swap3A_377, %swap3A_378], %select_n3A_376 {strides = array<i32>} : memref<1024x256xi8, #tpu.memory_space<vmem>>, vector<1024x256xi8>,
    %get3A_380 = arith.constant 3072 : index
    %get3A_381 = arith.constant 0 : index
    %get3A_382 = vector.load %arg2[%get3A_380, %get3A_381] : memref<8192x256xf32, #tpu.memory_space<vmem>>, vector<256x256xf32>
    %dot_general3A_383 = arith.constant dense<0.000000e+00> : vector<1024x256xf32>
    %dot_general3A_384 = tpu.matmul %add3A, %get3A_382, %dot_general3A_383 {dimension_numbers = #tpu.dot_dimension_numbers<[1], [1], [0], [0], [0, 0, 1, 0], [], []>, transpose_lhs_hint = false} : vector<1024x256xf32>, vector<256x256xf32>, vector<1024x256xf32> -> vector<1024x256xf32>
    %get3A_385 = arith.constant 0 : index
    %get3A_386 = arith.constant 3072 : index
    %get3A_387 = vector.load %arg5[%get3A_385, %get3A_386] : memref<1x8192xf32, #tpu.memory_space<vmem>>, vector<1x256xf32>
    %get3A_388 = vector.shape_cast %get3A_387 : vector<1x256xf32> to vector<256xf32>
    %sub3A_389 = vector.broadcast %broadcast_in_dim3A : vector<1024x1xf32> to vector<1024x256xf32>
    %sub3A_390 = arith.subf %sub3A_389, %dot_general3A_384 : vector<1024x256xf32>
    %broadcast_in_dim3A_391 = vector.shape_cast %get3A_388 : vector<256xf32> to vector<1x256xf32>
    %add3A_392 = vector.broadcast %broadcast_in_dim3A_391 : vector<1x256xf32> to vector<1024x256xf32>
    %add3A_393 = arith.addf %sub3A_390, %add3A_392 : vector<1024x256xf32>
    %get3A_394 = arith.constant 0 : index
    %get3A_395 = arith.constant 0 : index
    %get3A_396 = vector.load %arg6[%get3A_394, %get3A_395] : memref<1024x256xf32, #tpu.memory_space<vmem>>, vector<1024x256xf32>
    %lt3A_397 = arith.cmpf olt, %add3A_393, %get3A_396 : vector<1024x256xf32>
    %min3A_398 = arith.minimumf %get3A_396, %add3A_393 : vector<1024x256xf32>
    %swap3A_399 = arith.constant 0 : index
    %swap3A_400 = arith.constant 0 : index
    %swap3A_401 = vector.load %arg6[%swap3A_399, %swap3A_400] : memref<1024x256xf32, #tpu.memory_space<vmem>>, vector<1024x256xf32>
    tpu.vector_store %arg6[%swap3A_399, %swap3A_400], %min3A_398 {strides = array<i32>} : memref<1024x256xf32, #tpu.memory_space<vmem>>, vector<1024x256xf32>,
    %get3A_402 = arith.constant 0 : index
    %get3A_403 = arith.constant 0 : index
    %get3A_404 = vector.load %arg7[%get3A_402, %get3A_403] : memref<1024x256xi8, #tpu.memory_space<vmem>>, vector<1024x256xi8>
    %jit3A_405 = arith.constant 12 : i8
    %broadcast_in_dim3A_406 = vector.broadcast %jit3A_405 : i8 to vector<1024x256xi8>
    %select_n3A_407 = arith.select %lt3A_397, %broadcast_in_dim3A_406, %get3A_404 : vector<1024x256xi1>, vector<1024x256xi8>
    %swap3A_408 = arith.constant 0 : index
    %swap3A_409 = arith.constant 0 : index
    %swap3A_410 = vector.load %arg7[%swap3A_408, %swap3A_409] : memref<1024x256xi8, #tpu.memory_space<vmem>>, vector<1024x256xi8>
    tpu.vector_store %arg7[%swap3A_408, %swap3A_409], %select_n3A_407 {strides = array<i32>} : memref<1024x256xi8, #tpu.memory_space<vmem>>, vector<1024x256xi8>,
    %get3A_411 = arith.constant 3328 : index
    %get3A_412 = arith.constant 0 : index
    %get3A_413 = vector.load %arg2[%get3A_411, %get3A_412] : memref<8192x256xf32, #tpu.memory_space<vmem>>, vector<256x256xf32>
    %dot_general3A_414 = arith.constant dense<0.000000e+00> : vector<1024x256xf32>
    %dot_general3A_415 = tpu.matmul %add3A, %get3A_413, %dot_general3A_414 {dimension_numbers = #tpu.dot_dimension_numbers<[1], [1], [0], [0], [0, 0, 1, 0], [], []>, transpose_lhs_hint = false} : vector<1024x256xf32>, vector<256x256xf32>, vector<1024x256xf32> -> vector<1024x256xf32>
    %get3A_416 = arith.constant 0 : index
    %get3A_417 = arith.constant 3328 : index
    %get3A_418 = vector.load %arg5[%get3A_416, %get3A_417] : memref<1x8192xf32, #tpu.memory_space<vmem>>, vector<1x256xf32>
    %get3A_419 = vector.shape_cast %get3A_418 : vector<1x256xf32> to vector<256xf32>
    %sub3A_420 = vector.broadcast %broadcast_in_dim3A : vector<1024x1xf32> to vector<1024x256xf32>
    %sub3A_421 = arith.subf %sub3A_420, %dot_general3A_415 : vector<1024x256xf32>
    %broadcast_in_dim3A_422 = vector.shape_cast %get3A_419 : vector<256xf32> to vector<1x256xf32>
    %add3A_423 = vector.broadcast %broadcast_in_dim3A_422 : vector<1x256xf32> to vector<1024x256xf32>
    %add3A_424 = arith.addf %sub3A_421, %add3A_423 : vector<1024x256xf32>
    %get3A_425 = arith.constant 0 : index
    %get3A_426 = arith.constant 0 : index
    %get3A_427 = vector.load %arg6[%get3A_425, %get3A_426] : memref<1024x256xf32, #tpu.memory_space<vmem>>, vector<1024x256xf32>
    %lt3A_428 = arith.cmpf olt, %add3A_424, %get3A_427 : vector<1024x256xf32>
    %min3A_429 = arith.minimumf %get3A_427, %add3A_424 : vector<1024x256xf32>
    %swap3A_430 = arith.constant 0 : index
    %swap3A_431 = arith.constant 0 : index
    %swap3A_432 = vector.load %arg6[%swap3A_430, %swap3A_431] : memref<1024x256xf32, #tpu.memory_space<vmem>>, vector<1024x256xf32>
    tpu.vector_store %arg6[%swap3A_430, %swap3A_431], %min3A_429 {strides = array<i32>} : memref<1024x256xf32, #tpu.memory_space<vmem>>, vector<1024x256xf32>,
    %get3A_433 = arith.constant 0 : index
    %get3A_434 = arith.constant 0 : index
    %get3A_435 = vector.load %arg7[%get3A_433, %get3A_434] : memref<1024x256xi8, #tpu.memory_space<vmem>>, vector<1024x256xi8>
    %jit3A_436 = arith.constant 13 : i8
    %broadcast_in_dim3A_437 = vector.broadcast %jit3A_436 : i8 to vector<1024x256xi8>
    %select_n3A_438 = arith.select %lt3A_428, %broadcast_in_dim3A_437, %get3A_435 : vector<1024x256xi1>, vector<1024x256xi8>
    %swap3A_439 = arith.constant 0 : index
    %swap3A_440 = arith.constant 0 : index
    %swap3A_441 = vector.load %arg7[%swap3A_439, %swap3A_440] : memref<1024x256xi8, #tpu.memory_space<vmem>>, vector<1024x256xi8>
    tpu.vector_store %arg7[%swap3A_439, %swap3A_440], %select_n3A_438 {strides = array<i32>} : memref<1024x256xi8, #tpu.memory_space<vmem>>, vector<1024x256xi8>,
    %get3A_442 = arith.constant 3584 : index
    %get3A_443 = arith.constant 0 : index
    %get3A_444 = vector.load %arg2[%get3A_442, %get3A_443] : memref<8192x256xf32, #tpu.memory_space<vmem>>, vector<256x256xf32>
    %dot_general3A_445 = arith.constant dense<0.000000e+00> : vector<1024x256xf32>
    %dot_general3A_446 = tpu.matmul %add3A, %get3A_444, %dot_general3A_445 {dimension_numbers = #tpu.dot_dimension_numbers<[1], [1], [0], [0], [0, 0, 1, 0], [], []>, transpose_lhs_hint = false} : vector<1024x256xf32>, vector<256x256xf32>, vector<1024x256xf32> -> vector<1024x256xf32>
    %get3A_447 = arith.constant 0 : index
    %get3A_448 = arith.constant 3584 : index
    %get3A_449 = vector.load %arg5[%get3A_447, %get3A_448] : memref<1x8192xf32, #tpu.memory_space<vmem>>, vector<1x256xf32>
    %get3A_450 = vector.shape_cast %get3A_449 : vector<1x256xf32> to vector<256xf32>
    %sub3A_451 = vector.broadcast %broadcast_in_dim3A : vector<1024x1xf32> to vector<1024x256xf32>
    %sub3A_452 = arith.subf %sub3A_451, %dot_general3A_446 : vector<1024x256xf32>
    %broadcast_in_dim3A_453 = vector.shape_cast %get3A_450 : vector<256xf32> to vector<1x256xf32>
    %add3A_454 = vector.broadcast %broadcast_in_dim3A_453 : vector<1x256xf32> to vector<1024x256xf32>
    %add3A_455 = arith.addf %sub3A_452, %add3A_454 : vector<1024x256xf32>
    %get3A_456 = arith.constant 0 : index
    %get3A_457 = arith.constant 0 : index
    %get3A_458 = vector.load %arg6[%get3A_456, %get3A_457] : memref<1024x256xf32, #tpu.memory_space<vmem>>, vector<1024x256xf32>
    %lt3A_459 = arith.cmpf olt, %add3A_455, %get3A_458 : vector<1024x256xf32>
    %min3A_460 = arith.minimumf %get3A_458, %add3A_455 : vector<1024x256xf32>
    %swap3A_461 = arith.constant 0 : index
    %swap3A_462 = arith.constant 0 : index
    %swap3A_463 = vector.load %arg6[%swap3A_461, %swap3A_462] : memref<1024x256xf32, #tpu.memory_space<vmem>>, vector<1024x256xf32>
    tpu.vector_store %arg6[%swap3A_461, %swap3A_462], %min3A_460 {strides = array<i32>} : memref<1024x256xf32, #tpu.memory_space<vmem>>, vector<1024x256xf32>,
    %get3A_464 = arith.constant 0 : index
    %get3A_465 = arith.constant 0 : index
    %get3A_466 = vector.load %arg7[%get3A_464, %get3A_465] : memref<1024x256xi8, #tpu.memory_space<vmem>>, vector<1024x256xi8>
    %jit3A_467 = arith.constant 14 : i8
    %broadcast_in_dim3A_468 = vector.broadcast %jit3A_467 : i8 to vector<1024x256xi8>
    %select_n3A_469 = arith.select %lt3A_459, %broadcast_in_dim3A_468, %get3A_466 : vector<1024x256xi1>, vector<1024x256xi8>
    %swap3A_470 = arith.constant 0 : index
    %swap3A_471 = arith.constant 0 : index
    %swap3A_472 = vector.load %arg7[%swap3A_470, %swap3A_471] : memref<1024x256xi8, #tpu.memory_space<vmem>>, vector<1024x256xi8>
    tpu.vector_store %arg7[%swap3A_470, %swap3A_471], %select_n3A_469 {strides = array<i32>} : memref<1024x256xi8, #tpu.memory_space<vmem>>, vector<1024x256xi8>,
    %get3A_473 = arith.constant 3840 : index
    %get3A_474 = arith.constant 0 : index
    %get3A_475 = vector.load %arg2[%get3A_473, %get3A_474] : memref<8192x256xf32, #tpu.memory_space<vmem>>, vector<256x256xf32>
    %dot_general3A_476 = arith.constant dense<0.000000e+00> : vector<1024x256xf32>
    %dot_general3A_477 = tpu.matmul %add3A, %get3A_475, %dot_general3A_476 {dimension_numbers = #tpu.dot_dimension_numbers<[1], [1], [0], [0], [0, 0, 1, 0], [], []>, transpose_lhs_hint = false} : vector<1024x256xf32>, vector<256x256xf32>, vector<1024x256xf32> -> vector<1024x256xf32>
    %get3A_478 = arith.constant 0 : index
    %get3A_479 = arith.constant 3840 : index
    %get3A_480 = vector.load %arg5[%get3A_478, %get3A_479] : memref<1x8192xf32, #tpu.memory_space<vmem>>, vector<1x256xf32>
    %get3A_481 = vector.shape_cast %get3A_480 : vector<1x256xf32> to vector<256xf32>
    %sub3A_482 = vector.broadcast %broadcast_in_dim3A : vector<1024x1xf32> to vector<1024x256xf32>
    %sub3A_483 = arith.subf %sub3A_482, %dot_general3A_477 : vector<1024x256xf32>
    %broadcast_in_dim3A_484 = vector.shape_cast %get3A_481 : vector<256xf32> to vector<1x256xf32>
    %add3A_485 = vector.broadcast %broadcast_in_dim3A_484 : vector<1x256xf32> to vector<1024x256xf32>
    %add3A_486 = arith.addf %sub3A_483, %add3A_485 : vector<1024x256xf32>
    %get3A_487 = arith.constant 0 : index
    %get3A_488 = arith.constant 0 : index
    %get3A_489 = vector.load %arg6[%get3A_487, %get3A_488] : memref<1024x256xf32, #tpu.memory_space<vmem>>, vector<1024x256xf32>
    %lt3A_490 = arith.cmpf olt, %add3A_486, %get3A_489 : vector<1024x256xf32>
    %min3A_491 = arith.minimumf %get3A_489, %add3A_486 : vector<1024x256xf32>
    %swap3A_492 = arith.constant 0 : index
    %swap3A_493 = arith.constant 0 : index
    %swap3A_494 = vector.load %arg6[%swap3A_492, %swap3A_493] : memref<1024x256xf32, #tpu.memory_space<vmem>>, vector<1024x256xf32>
    tpu.vector_store %arg6[%swap3A_492, %swap3A_493], %min3A_491 {strides = array<i32>} : memref<1024x256xf32, #tpu.memory_space<vmem>>, vector<1024x256xf32>,
    %get3A_495 = arith.constant 0 : index
    %get3A_496 = arith.constant 0 : index
    %get3A_497 = vector.load %arg7[%get3A_495, %get3A_496] : memref<1024x256xi8, #tpu.memory_space<vmem>>, vector<1024x256xi8>
    %jit3A_498 = arith.constant 15 : i8
    %broadcast_in_dim3A_499 = vector.broadcast %jit3A_498 : i8 to vector<1024x256xi8>
    %select_n3A_500 = arith.select %lt3A_490, %broadcast_in_dim3A_499, %get3A_497 : vector<1024x256xi1>, vector<1024x256xi8>
    %swap3A_501 = arith.constant 0 : index
    %swap3A_502 = arith.constant 0 : index
    %swap3A_503 = vector.load %arg7[%swap3A_501, %swap3A_502] : memref<1024x256xi8, #tpu.memory_space<vmem>>, vector<1024x256xi8>
    tpu.vector_store %arg7[%swap3A_501, %swap3A_502], %select_n3A_500 {strides = array<i32>} : memref<1024x256xi8, #tpu.memory_space<vmem>>, vector<1024x256xi8>,
    %get3A_504 = arith.constant 4096 : index
    %get3A_505 = arith.constant 0 : index
    %get3A_506 = vector.load %arg2[%get3A_504, %get3A_505] : memref<8192x256xf32, #tpu.memory_space<vmem>>, vector<256x256xf32>
    %dot_general3A_507 = arith.constant dense<0.000000e+00> : vector<1024x256xf32>
    %dot_general3A_508 = tpu.matmul %add3A, %get3A_506, %dot_general3A_507 {dimension_numbers = #tpu.dot_dimension_numbers<[1], [1], [0], [0], [0, 0, 1, 0], [], []>, transpose_lhs_hint = false} : vector<1024x256xf32>, vector<256x256xf32>, vector<1024x256xf32> -> vector<1024x256xf32>
    %get3A_509 = arith.constant 0 : index
    %get3A_510 = arith.constant 4096 : index
    %get3A_511 = vector.load %arg5[%get3A_509, %get3A_510] : memref<1x8192xf32, #tpu.memory_space<vmem>>, vector<1x256xf32>
    %get3A_512 = vector.shape_cast %get3A_511 : vector<1x256xf32> to vector<256xf32>
    %sub3A_513 = vector.broadcast %broadcast_in_dim3A : vector<1024x1xf32> to vector<1024x256xf32>
    %sub3A_514 = arith.subf %sub3A_513, %dot_general3A_508 : vector<1024x256xf32>
    %broadcast_in_dim3A_515 = vector.shape_cast %get3A_512 : vector<256xf32> to vector<1x256xf32>
    %add3A_516 = vector.broadcast %broadcast_in_dim3A_515 : vector<1x256xf32> to vector<1024x256xf32>
    %add3A_517 = arith.addf %sub3A_514, %add3A_516 : vector<1024x256xf32>
    %get3A_518 = arith.constant 0 : index
    %get3A_519 = arith.constant 0 : index
    %get3A_520 = vector.load %arg6[%get3A_518, %get3A_519] : memref<1024x256xf32, #tpu.memory_space<vmem>>, vector<1024x256xf32>
    %lt3A_521 = arith.cmpf olt, %add3A_517, %get3A_520 : vector<1024x256xf32>
    %min3A_522 = arith.minimumf %get3A_520, %add3A_517 : vector<1024x256xf32>
    %swap3A_523 = arith.constant 0 : index
    %swap3A_524 = arith.constant 0 : index
    %swap3A_525 = vector.load %arg6[%swap3A_523, %swap3A_524] : memref<1024x256xf32, #tpu.memory_space<vmem>>, vector<1024x256xf32>
    tpu.vector_store %arg6[%swap3A_523, %swap3A_524], %min3A_522 {strides = array<i32>} : memref<1024x256xf32, #tpu.memory_space<vmem>>, vector<1024x256xf32>,
    %get3A_526 = arith.constant 0 : index
    %get3A_527 = arith.constant 0 : index
    %get3A_528 = vector.load %arg7[%get3A_526, %get3A_527] : memref<1024x256xi8, #tpu.memory_space<vmem>>, vector<1024x256xi8>
    %jit3A_529 = arith.constant 16 : i8
    %broadcast_in_dim3A_530 = vector.broadcast %jit3A_529 : i8 to vector<1024x256xi8>
    %select_n3A_531 = arith.select %lt3A_521, %broadcast_in_dim3A_530, %get3A_528 : vector<1024x256xi1>, vector<1024x256xi8>
    %swap3A_532 = arith.constant 0 : index
    %swap3A_533 = arith.constant 0 : index
    %swap3A_534 = vector.load %arg7[%swap3A_532, %swap3A_533] : memref<1024x256xi8, #tpu.memory_space<vmem>>, vector<1024x256xi8>
    tpu.vector_store %arg7[%swap3A_532, %swap3A_533], %select_n3A_531 {strides = array<i32>} : memref<1024x256xi8, #tpu.memory_space<vmem>>, vector<1024x256xi8>,
    %get3A_535 = arith.constant 4352 : index
    %get3A_536 = arith.constant 0 : index
    %get3A_537 = vector.load %arg2[%get3A_535, %get3A_536] : memref<8192x256xf32, #tpu.memory_space<vmem>>, vector<256x256xf32>
    %dot_general3A_538 = arith.constant dense<0.000000e+00> : vector<1024x256xf32>
    %dot_general3A_539 = tpu.matmul %add3A, %get3A_537, %dot_general3A_538 {dimension_numbers = #tpu.dot_dimension_numbers<[1], [1], [0], [0], [0, 0, 1, 0], [], []>, transpose_lhs_hint = false} : vector<1024x256xf32>, vector<256x256xf32>, vector<1024x256xf32> -> vector<1024x256xf32>
    %get3A_540 = arith.constant 0 : index
    %get3A_541 = arith.constant 4352 : index
    %get3A_542 = vector.load %arg5[%get3A_540, %get3A_541] : memref<1x8192xf32, #tpu.memory_space<vmem>>, vector<1x256xf32>
    %get3A_543 = vector.shape_cast %get3A_542 : vector<1x256xf32> to vector<256xf32>
    %sub3A_544 = vector.broadcast %broadcast_in_dim3A : vector<1024x1xf32> to vector<1024x256xf32>
    %sub3A_545 = arith.subf %sub3A_544, %dot_general3A_539 : vector<1024x256xf32>
    %broadcast_in_dim3A_546 = vector.shape_cast %get3A_543 : vector<256xf32> to vector<1x256xf32>
    %add3A_547 = vector.broadcast %broadcast_in_dim3A_546 : vector<1x256xf32> to vector<1024x256xf32>
    %add3A_548 = arith.addf %sub3A_545, %add3A_547 : vector<1024x256xf32>
    %get3A_549 = arith.constant 0 : index
    %get3A_550 = arith.constant 0 : index
    %get3A_551 = vector.load %arg6[%get3A_549, %get3A_550] : memref<1024x256xf32, #tpu.memory_space<vmem>>, vector<1024x256xf32>
    %lt3A_552 = arith.cmpf olt, %add3A_548, %get3A_551 : vector<1024x256xf32>
    %min3A_553 = arith.minimumf %get3A_551, %add3A_548 : vector<1024x256xf32>
    %swap3A_554 = arith.constant 0 : index
    %swap3A_555 = arith.constant 0 : index
    %swap3A_556 = vector.load %arg6[%swap3A_554, %swap3A_555] : memref<1024x256xf32, #tpu.memory_space<vmem>>, vector<1024x256xf32>
    tpu.vector_store %arg6[%swap3A_554, %swap3A_555], %min3A_553 {strides = array<i32>} : memref<1024x256xf32, #tpu.memory_space<vmem>>, vector<1024x256xf32>,
    %get3A_557 = arith.constant 0 : index
    %get3A_558 = arith.constant 0 : index
    %get3A_559 = vector.load %arg7[%get3A_557, %get3A_558] : memref<1024x256xi8, #tpu.memory_space<vmem>>, vector<1024x256xi8>
    %jit3A_560 = arith.constant 17 : i8
    %broadcast_in_dim3A_561 = vector.broadcast %jit3A_560 : i8 to vector<1024x256xi8>
    %select_n3A_562 = arith.select %lt3A_552, %broadcast_in_dim3A_561, %get3A_559 : vector<1024x256xi1>, vector<1024x256xi8>
    %swap3A_563 = arith.constant 0 : index
    %swap3A_564 = arith.constant 0 : index
    %swap3A_565 = vector.load %arg7[%swap3A_563, %swap3A_564] : memref<1024x256xi8, #tpu.memory_space<vmem>>, vector<1024x256xi8>
    tpu.vector_store %arg7[%swap3A_563, %swap3A_564], %select_n3A_562 {strides = array<i32>} : memref<1024x256xi8, #tpu.memory_space<vmem>>, vector<1024x256xi8>,
    %get3A_566 = arith.constant 4608 : index
    %get3A_567 = arith.constant 0 : index
    %get3A_568 = vector.load %arg2[%get3A_566, %get3A_567] : memref<8192x256xf32, #tpu.memory_space<vmem>>, vector<256x256xf32>
    %dot_general3A_569 = arith.constant dense<0.000000e+00> : vector<1024x256xf32>
    %dot_general3A_570 = tpu.matmul %add3A, %get3A_568, %dot_general3A_569 {dimension_numbers = #tpu.dot_dimension_numbers<[1], [1], [0], [0], [0, 0, 1, 0], [], []>, transpose_lhs_hint = false} : vector<1024x256xf32>, vector<256x256xf32>, vector<1024x256xf32> -> vector<1024x256xf32>
    %get3A_571 = arith.constant 0 : index
    %get3A_572 = arith.constant 4608 : index
    %get3A_573 = vector.load %arg5[%get3A_571, %get3A_572] : memref<1x8192xf32, #tpu.memory_space<vmem>>, vector<1x256xf32>
    %get3A_574 = vector.shape_cast %get3A_573 : vector<1x256xf32> to vector<256xf32>
    %sub3A_575 = vector.broadcast %broadcast_in_dim3A : vector<1024x1xf32> to vector<1024x256xf32>
    %sub3A_576 = arith.subf %sub3A_575, %dot_general3A_570 : vector<1024x256xf32>
    %broadcast_in_dim3A_577 = vector.shape_cast %get3A_574 : vector<256xf32> to vector<1x256xf32>
    %add3A_578 = vector.broadcast %broadcast_in_dim3A_577 : vector<1x256xf32> to vector<1024x256xf32>
    %add3A_579 = arith.addf %sub3A_576, %add3A_578 : vector<1024x256xf32>
    %get3A_580 = arith.constant 0 : index
    %get3A_581 = arith.constant 0 : index
    %get3A_582 = vector.load %arg6[%get3A_580, %get3A_581] : memref<1024x256xf32, #tpu.memory_space<vmem>>, vector<1024x256xf32>
    %lt3A_583 = arith.cmpf olt, %add3A_579, %get3A_582 : vector<1024x256xf32>
    %min3A_584 = arith.minimumf %get3A_582, %add3A_579 : vector<1024x256xf32>
    %swap3A_585 = arith.constant 0 : index
    %swap3A_586 = arith.constant 0 : index
    %swap3A_587 = vector.load %arg6[%swap3A_585, %swap3A_586] : memref<1024x256xf32, #tpu.memory_space<vmem>>, vector<1024x256xf32>
    tpu.vector_store %arg6[%swap3A_585, %swap3A_586], %min3A_584 {strides = array<i32>} : memref<1024x256xf32, #tpu.memory_space<vmem>>, vector<1024x256xf32>,
    %get3A_588 = arith.constant 0 : index
    %get3A_589 = arith.constant 0 : index
    %get3A_590 = vector.load %arg7[%get3A_588, %get3A_589] : memref<1024x256xi8, #tpu.memory_space<vmem>>, vector<1024x256xi8>
    %jit3A_591 = arith.constant 18 : i8
    %broadcast_in_dim3A_592 = vector.broadcast %jit3A_591 : i8 to vector<1024x256xi8>
    %select_n3A_593 = arith.select %lt3A_583, %broadcast_in_dim3A_592, %get3A_590 : vector<1024x256xi1>, vector<1024x256xi8>
    %swap3A_594 = arith.constant 0 : index
    %swap3A_595 = arith.constant 0 : index
    %swap3A_596 = vector.load %arg7[%swap3A_594, %swap3A_595] : memref<1024x256xi8, #tpu.memory_space<vmem>>, vector<1024x256xi8>
    tpu.vector_store %arg7[%swap3A_594, %swap3A_595], %select_n3A_593 {strides = array<i32>} : memref<1024x256xi8, #tpu.memory_space<vmem>>, vector<1024x256xi8>,
    %get3A_597 = arith.constant 4864 : index
    %get3A_598 = arith.constant 0 : index
    %get3A_599 = vector.load %arg2[%get3A_597, %get3A_598] : memref<8192x256xf32, #tpu.memory_space<vmem>>, vector<256x256xf32>
    %dot_general3A_600 = arith.constant dense<0.000000e+00> : vector<1024x256xf32>
    %dot_general3A_601 = tpu.matmul %add3A, %get3A_599, %dot_general3A_600 {dimension_numbers = #tpu.dot_dimension_numbers<[1], [1], [0], [0], [0, 0, 1, 0], [], []>, transpose_lhs_hint = false} : vector<1024x256xf32>, vector<256x256xf32>, vector<1024x256xf32> -> vector<1024x256xf32>
    %get3A_602 = arith.constant 0 : index
    %get3A_603 = arith.constant 4864 : index
    %get3A_604 = vector.load %arg5[%get3A_602, %get3A_603] : memref<1x8192xf32, #tpu.memory_space<vmem>>, vector<1x256xf32>
    %get3A_605 = vector.shape_cast %get3A_604 : vector<1x256xf32> to vector<256xf32>
    %sub3A_606 = vector.broadcast %broadcast_in_dim3A : vector<1024x1xf32> to vector<1024x256xf32>
    %sub3A_607 = arith.subf %sub3A_606, %dot_general3A_601 : vector<1024x256xf32>
    %broadcast_in_dim3A_608 = vector.shape_cast %get3A_605 : vector<256xf32> to vector<1x256xf32>
    %add3A_609 = vector.broadcast %broadcast_in_dim3A_608 : vector<1x256xf32> to vector<1024x256xf32>
    %add3A_610 = arith.addf %sub3A_607, %add3A_609 : vector<1024x256xf32>
    %get3A_611 = arith.constant 0 : index
    %get3A_612 = arith.constant 0 : index
    %get3A_613 = vector.load %arg6[%get3A_611, %get3A_612] : memref<1024x256xf32, #tpu.memory_space<vmem>>, vector<1024x256xf32>
    %lt3A_614 = arith.cmpf olt, %add3A_610, %get3A_613 : vector<1024x256xf32>
    %min3A_615 = arith.minimumf %get3A_613, %add3A_610 : vector<1024x256xf32>
    %swap3A_616 = arith.constant 0 : index
    %swap3A_617 = arith.constant 0 : index
    %swap3A_618 = vector.load %arg6[%swap3A_616, %swap3A_617] : memref<1024x256xf32, #tpu.memory_space<vmem>>, vector<1024x256xf32>
    tpu.vector_store %arg6[%swap3A_616, %swap3A_617], %min3A_615 {strides = array<i32>} : memref<1024x256xf32, #tpu.memory_space<vmem>>, vector<1024x256xf32>,
    %get3A_619 = arith.constant 0 : index
    %get3A_620 = arith.constant 0 : index
    %get3A_621 = vector.load %arg7[%get3A_619, %get3A_620] : memref<1024x256xi8, #tpu.memory_space<vmem>>, vector<1024x256xi8>
    %jit3A_622 = arith.constant 19 : i8
    %broadcast_in_dim3A_623 = vector.broadcast %jit3A_622 : i8 to vector<1024x256xi8>
    %select_n3A_624 = arith.select %lt3A_614, %broadcast_in_dim3A_623, %get3A_621 : vector<1024x256xi1>, vector<1024x256xi8>
    %swap3A_625 = arith.constant 0 : index
    %swap3A_626 = arith.constant 0 : index
    %swap3A_627 = vector.load %arg7[%swap3A_625, %swap3A_626] : memref<1024x256xi8, #tpu.memory_space<vmem>>, vector<1024x256xi8>
    tpu.vector_store %arg7[%swap3A_625, %swap3A_626], %select_n3A_624 {strides = array<i32>} : memref<1024x256xi8, #tpu.memory_space<vmem>>, vector<1024x256xi8>,
    %get3A_628 = arith.constant 5120 : index
    %get3A_629 = arith.constant 0 : index
    %get3A_630 = vector.load %arg2[%get3A_628, %get3A_629] : memref<8192x256xf32, #tpu.memory_space<vmem>>, vector<256x256xf32>
    %dot_general3A_631 = arith.constant dense<0.000000e+00> : vector<1024x256xf32>
    %dot_general3A_632 = tpu.matmul %add3A, %get3A_630, %dot_general3A_631 {dimension_numbers = #tpu.dot_dimension_numbers<[1], [1], [0], [0], [0, 0, 1, 0], [], []>, transpose_lhs_hint = false} : vector<1024x256xf32>, vector<256x256xf32>, vector<1024x256xf32> -> vector<1024x256xf32>
    %get3A_633 = arith.constant 0 : index
    %get3A_634 = arith.constant 5120 : index
    %get3A_635 = vector.load %arg5[%get3A_633, %get3A_634] : memref<1x8192xf32, #tpu.memory_space<vmem>>, vector<1x256xf32>
    %get3A_636 = vector.shape_cast %get3A_635 : vector<1x256xf32> to vector<256xf32>
    %sub3A_637 = vector.broadcast %broadcast_in_dim3A : vector<1024x1xf32> to vector<1024x256xf32>
    %sub3A_638 = arith.subf %sub3A_637, %dot_general3A_632 : vector<1024x256xf32>
    %broadcast_in_dim3A_639 = vector.shape_cast %get3A_636 : vector<256xf32> to vector<1x256xf32>
    %add3A_640 = vector.broadcast %broadcast_in_dim3A_639 : vector<1x256xf32> to vector<1024x256xf32>
    %add3A_641 = arith.addf %sub3A_638, %add3A_640 : vector<1024x256xf32>
    %get3A_642 = arith.constant 0 : index
    %get3A_643 = arith.constant 0 : index
    %get3A_644 = vector.load %arg6[%get3A_642, %get3A_643] : memref<1024x256xf32, #tpu.memory_space<vmem>>, vector<1024x256xf32>
    %lt3A_645 = arith.cmpf olt, %add3A_641, %get3A_644 : vector<1024x256xf32>
    %min3A_646 = arith.minimumf %get3A_644, %add3A_641 : vector<1024x256xf32>
    %swap3A_647 = arith.constant 0 : index
    %swap3A_648 = arith.constant 0 : index
    %swap3A_649 = vector.load %arg6[%swap3A_647, %swap3A_648] : memref<1024x256xf32, #tpu.memory_space<vmem>>, vector<1024x256xf32>
    tpu.vector_store %arg6[%swap3A_647, %swap3A_648], %min3A_646 {strides = array<i32>} : memref<1024x256xf32, #tpu.memory_space<vmem>>, vector<1024x256xf32>,
    %get3A_650 = arith.constant 0 : index
    %get3A_651 = arith.constant 0 : index
    %get3A_652 = vector.load %arg7[%get3A_650, %get3A_651] : memref<1024x256xi8, #tpu.memory_space<vmem>>, vector<1024x256xi8>
    %jit3A_653 = arith.constant 20 : i8
    %broadcast_in_dim3A_654 = vector.broadcast %jit3A_653 : i8 to vector<1024x256xi8>
    %select_n3A_655 = arith.select %lt3A_645, %broadcast_in_dim3A_654, %get3A_652 : vector<1024x256xi1>, vector<1024x256xi8>
    %swap3A_656 = arith.constant 0 : index
    %swap3A_657 = arith.constant 0 : index
    %swap3A_658 = vector.load %arg7[%swap3A_656, %swap3A_657] : memref<1024x256xi8, #tpu.memory_space<vmem>>, vector<1024x256xi8>
    tpu.vector_store %arg7[%swap3A_656, %swap3A_657], %select_n3A_655 {strides = array<i32>} : memref<1024x256xi8, #tpu.memory_space<vmem>>, vector<1024x256xi8>,
    %get3A_659 = arith.constant 5376 : index
    %get3A_660 = arith.constant 0 : index
    %get3A_661 = vector.load %arg2[%get3A_659, %get3A_660] : memref<8192x256xf32, #tpu.memory_space<vmem>>, vector<256x256xf32>
    %dot_general3A_662 = arith.constant dense<0.000000e+00> : vector<1024x256xf32>
    %dot_general3A_663 = tpu.matmul %add3A, %get3A_661, %dot_general3A_662 {dimension_numbers = #tpu.dot_dimension_numbers<[1], [1], [0], [0], [0, 0, 1, 0], [], []>, transpose_lhs_hint = false} : vector<1024x256xf32>, vector<256x256xf32>, vector<1024x256xf32> -> vector<1024x256xf32>
    %get3A_664 = arith.constant 0 : index
    %get3A_665 = arith.constant 5376 : index
    %get3A_666 = vector.load %arg5[%get3A_664, %get3A_665] : memref<1x8192xf32, #tpu.memory_space<vmem>>, vector<1x256xf32>
    %get3A_667 = vector.shape_cast %get3A_666 : vector<1x256xf32> to vector<256xf32>
    %sub3A_668 = vector.broadcast %broadcast_in_dim3A : vector<1024x1xf32> to vector<1024x256xf32>
    %sub3A_669 = arith.subf %sub3A_668, %dot_general3A_663 : vector<1024x256xf32>
    %broadcast_in_dim3A_670 = vector.shape_cast %get3A_667 : vector<256xf32> to vector<1x256xf32>
    %add3A_671 = vector.broadcast %broadcast_in_dim3A_670 : vector<1x256xf32> to vector<1024x256xf32>
    %add3A_672 = arith.addf %sub3A_669, %add3A_671 : vector<1024x256xf32>
    %get3A_673 = arith.constant 0 : index
    %get3A_674 = arith.constant 0 : index
    %get3A_675 = vector.load %arg6[%get3A_673, %get3A_674] : memref<1024x256xf32, #tpu.memory_space<vmem>>, vector<1024x256xf32>
    %lt3A_676 = arith.cmpf olt, %add3A_672, %get3A_675 : vector<1024x256xf32>
    %min3A_677 = arith.minimumf %get3A_675, %add3A_672 : vector<1024x256xf32>
    %swap3A_678 = arith.constant 0 : index
    %swap3A_679 = arith.constant 0 : index
    %swap3A_680 = vector.load %arg6[%swap3A_678, %swap3A_679] : memref<1024x256xf32, #tpu.memory_space<vmem>>, vector<1024x256xf32>
    tpu.vector_store %arg6[%swap3A_678, %swap3A_679], %min3A_677 {strides = array<i32>} : memref<1024x256xf32, #tpu.memory_space<vmem>>, vector<1024x256xf32>,
    %get3A_681 = arith.constant 0 : index
    %get3A_682 = arith.constant 0 : index
    %get3A_683 = vector.load %arg7[%get3A_681, %get3A_682] : memref<1024x256xi8, #tpu.memory_space<vmem>>, vector<1024x256xi8>
    %jit3A_684 = arith.constant 21 : i8
    %broadcast_in_dim3A_685 = vector.broadcast %jit3A_684 : i8 to vector<1024x256xi8>
    %select_n3A_686 = arith.select %lt3A_676, %broadcast_in_dim3A_685, %get3A_683 : vector<1024x256xi1>, vector<1024x256xi8>
    %swap3A_687 = arith.constant 0 : index
    %swap3A_688 = arith.constant 0 : index
    %swap3A_689 = vector.load %arg7[%swap3A_687, %swap3A_688] : memref<1024x256xi8, #tpu.memory_space<vmem>>, vector<1024x256xi8>
    tpu.vector_store %arg7[%swap3A_687, %swap3A_688], %select_n3A_686 {strides = array<i32>} : memref<1024x256xi8, #tpu.memory_space<vmem>>, vector<1024x256xi8>,
    %get3A_690 = arith.constant 5632 : index
    %get3A_691 = arith.constant 0 : index
    %get3A_692 = vector.load %arg2[%get3A_690, %get3A_691] : memref<8192x256xf32, #tpu.memory_space<vmem>>, vector<256x256xf32>
    %dot_general3A_693 = arith.constant dense<0.000000e+00> : vector<1024x256xf32>
    %dot_general3A_694 = tpu.matmul %add3A, %get3A_692, %dot_general3A_693 {dimension_numbers = #tpu.dot_dimension_numbers<[1], [1], [0], [0], [0, 0, 1, 0], [], []>, transpose_lhs_hint = false} : vector<1024x256xf32>, vector<256x256xf32>, vector<1024x256xf32> -> vector<1024x256xf32>
    %get3A_695 = arith.constant 0 : index
    %get3A_696 = arith.constant 5632 : index
    %get3A_697 = vector.load %arg5[%get3A_695, %get3A_696] : memref<1x8192xf32, #tpu.memory_space<vmem>>, vector<1x256xf32>
    %get3A_698 = vector.shape_cast %get3A_697 : vector<1x256xf32> to vector<256xf32>
    %sub3A_699 = vector.broadcast %broadcast_in_dim3A : vector<1024x1xf32> to vector<1024x256xf32>
    %sub3A_700 = arith.subf %sub3A_699, %dot_general3A_694 : vector<1024x256xf32>
    %broadcast_in_dim3A_701 = vector.shape_cast %get3A_698 : vector<256xf32> to vector<1x256xf32>
    %add3A_702 = vector.broadcast %broadcast_in_dim3A_701 : vector<1x256xf32> to vector<1024x256xf32>
    %add3A_703 = arith.addf %sub3A_700, %add3A_702 : vector<1024x256xf32>
    %get3A_704 = arith.constant 0 : index
    %get3A_705 = arith.constant 0 : index
    %get3A_706 = vector.load %arg6[%get3A_704, %get3A_705] : memref<1024x256xf32, #tpu.memory_space<vmem>>, vector<1024x256xf32>
    %lt3A_707 = arith.cmpf olt, %add3A_703, %get3A_706 : vector<1024x256xf32>
    %min3A_708 = arith.minimumf %get3A_706, %add3A_703 : vector<1024x256xf32>
    %swap3A_709 = arith.constant 0 : index
    %swap3A_710 = arith.constant 0 : index
    %swap3A_711 = vector.load %arg6[%swap3A_709, %swap3A_710] : memref<1024x256xf32, #tpu.memory_space<vmem>>, vector<1024x256xf32>
    tpu.vector_store %arg6[%swap3A_709, %swap3A_710], %min3A_708 {strides = array<i32>} : memref<1024x256xf32, #tpu.memory_space<vmem>>, vector<1024x256xf32>,
    %get3A_712 = arith.constant 0 : index
    %get3A_713 = arith.constant 0 : index
    %get3A_714 = vector.load %arg7[%get3A_712, %get3A_713] : memref<1024x256xi8, #tpu.memory_space<vmem>>, vector<1024x256xi8>
    %jit3A_715 = arith.constant 22 : i8
    %broadcast_in_dim3A_716 = vector.broadcast %jit3A_715 : i8 to vector<1024x256xi8>
    %select_n3A_717 = arith.select %lt3A_707, %broadcast_in_dim3A_716, %get3A_714 : vector<1024x256xi1>, vector<1024x256xi8>
    %swap3A_718 = arith.constant 0 : index
    %swap3A_719 = arith.constant 0 : index
    %swap3A_720 = vector.load %arg7[%swap3A_718, %swap3A_719] : memref<1024x256xi8, #tpu.memory_space<vmem>>, vector<1024x256xi8>
    tpu.vector_store %arg7[%swap3A_718, %swap3A_719], %select_n3A_717 {strides = array<i32>} : memref<1024x256xi8, #tpu.memory_space<vmem>>, vector<1024x256xi8>,
    %get3A_721 = arith.constant 5888 : index
    %get3A_722 = arith.constant 0 : index
    %get3A_723 = vector.load %arg2[%get3A_721, %get3A_722] : memref<8192x256xf32, #tpu.memory_space<vmem>>, vector<256x256xf32>
    %dot_general3A_724 = arith.constant dense<0.000000e+00> : vector<1024x256xf32>
    %dot_general3A_725 = tpu.matmul %add3A, %get3A_723, %dot_general3A_724 {dimension_numbers = #tpu.dot_dimension_numbers<[1], [1], [0], [0], [0, 0, 1, 0], [], []>, transpose_lhs_hint = false} : vector<1024x256xf32>, vector<256x256xf32>, vector<1024x256xf32> -> vector<1024x256xf32>
    %get3A_726 = arith.constant 0 : index
    %get3A_727 = arith.constant 5888 : index
    %get3A_728 = vector.load %arg5[%get3A_726, %get3A_727] : memref<1x8192xf32, #tpu.memory_space<vmem>>, vector<1x256xf32>
    %get3A_729 = vector.shape_cast %get3A_728 : vector<1x256xf32> to vector<256xf32>
    %sub3A_730 = vector.broadcast %broadcast_in_dim3A : vector<1024x1xf32> to vector<1024x256xf32>
    %sub3A_731 = arith.subf %sub3A_730, %dot_general3A_725 : vector<1024x256xf32>
    %broadcast_in_dim3A_732 = vector.shape_cast %get3A_729 : vector<256xf32> to vector<1x256xf32>
    %add3A_733 = vector.broadcast %broadcast_in_dim3A_732 : vector<1x256xf32> to vector<1024x256xf32>
    %add3A_734 = arith.addf %sub3A_731, %add3A_733 : vector<1024x256xf32>
    %get3A_735 = arith.constant 0 : index
    %get3A_736 = arith.constant 0 : index
    %get3A_737 = vector.load %arg6[%get3A_735, %get3A_736] : memref<1024x256xf32, #tpu.memory_space<vmem>>, vector<1024x256xf32>
    %lt3A_738 = arith.cmpf olt, %add3A_734, %get3A_737 : vector<1024x256xf32>
    %min3A_739 = arith.minimumf %get3A_737, %add3A_734 : vector<1024x256xf32>
    %swap3A_740 = arith.constant 0 : index
    %swap3A_741 = arith.constant 0 : index
    %swap3A_742 = vector.load %arg6[%swap3A_740, %swap3A_741] : memref<1024x256xf32, #tpu.memory_space<vmem>>, vector<1024x256xf32>
    tpu.vector_store %arg6[%swap3A_740, %swap3A_741], %min3A_739 {strides = array<i32>} : memref<1024x256xf32, #tpu.memory_space<vmem>>, vector<1024x256xf32>,
    %get3A_743 = arith.constant 0 : index
    %get3A_744 = arith.constant 0 : index
    %get3A_745 = vector.load %arg7[%get3A_743, %get3A_744] : memref<1024x256xi8, #tpu.memory_space<vmem>>, vector<1024x256xi8>
    %jit3A_746 = arith.constant 23 : i8
    %broadcast_in_dim3A_747 = vector.broadcast %jit3A_746 : i8 to vector<1024x256xi8>
    %select_n3A_748 = arith.select %lt3A_738, %broadcast_in_dim3A_747, %get3A_745 : vector<1024x256xi1>, vector<1024x256xi8>
    %swap3A_749 = arith.constant 0 : index
    %swap3A_750 = arith.constant 0 : index
    %swap3A_751 = vector.load %arg7[%swap3A_749, %swap3A_750] : memref<1024x256xi8, #tpu.memory_space<vmem>>, vector<1024x256xi8>
    tpu.vector_store %arg7[%swap3A_749, %swap3A_750], %select_n3A_748 {strides = array<i32>} : memref<1024x256xi8, #tpu.memory_space<vmem>>, vector<1024x256xi8>,
    %get3A_752 = arith.constant 6144 : index
    %get3A_753 = arith.constant 0 : index
    %get3A_754 = vector.load %arg2[%get3A_752, %get3A_753] : memref<8192x256xf32, #tpu.memory_space<vmem>>, vector<256x256xf32>
    %dot_general3A_755 = arith.constant dense<0.000000e+00> : vector<1024x256xf32>
    %dot_general3A_756 = tpu.matmul %add3A, %get3A_754, %dot_general3A_755 {dimension_numbers = #tpu.dot_dimension_numbers<[1], [1], [0], [0], [0, 0, 1, 0], [], []>, transpose_lhs_hint = false} : vector<1024x256xf32>, vector<256x256xf32>, vector<1024x256xf32> -> vector<1024x256xf32>
    %get3A_757 = arith.constant 0 : index
    %get3A_758 = arith.constant 6144 : index
    %get3A_759 = vector.load %arg5[%get3A_757, %get3A_758] : memref<1x8192xf32, #tpu.memory_space<vmem>>, vector<1x256xf32>
    %get3A_760 = vector.shape_cast %get3A_759 : vector<1x256xf32> to vector<256xf32>
    %sub3A_761 = vector.broadcast %broadcast_in_dim3A : vector<1024x1xf32> to vector<1024x256xf32>
    %sub3A_762 = arith.subf %sub3A_761, %dot_general3A_756 : vector<1024x256xf32>
    %broadcast_in_dim3A_763 = vector.shape_cast %get3A_760 : vector<256xf32> to vector<1x256xf32>
    %add3A_764 = vector.broadcast %broadcast_in_dim3A_763 : vector<1x256xf32> to vector<1024x256xf32>
    %add3A_765 = arith.addf %sub3A_762, %add3A_764 : vector<1024x256xf32>
    %get3A_766 = arith.constant 0 : index
    %get3A_767 = arith.constant 0 : index
    %get3A_768 = vector.load %arg6[%get3A_766, %get3A_767] : memref<1024x256xf32, #tpu.memory_space<vmem>>, vector<1024x256xf32>
    %lt3A_769 = arith.cmpf olt, %add3A_765, %get3A_768 : vector<1024x256xf32>
    %min3A_770 = arith.minimumf %get3A_768, %add3A_765 : vector<1024x256xf32>
    %swap3A_771 = arith.constant 0 : index
    %swap3A_772 = arith.constant 0 : index
    %swap3A_773 = vector.load %arg6[%swap3A_771, %swap3A_772] : memref<1024x256xf32, #tpu.memory_space<vmem>>, vector<1024x256xf32>
    tpu.vector_store %arg6[%swap3A_771, %swap3A_772], %min3A_770 {strides = array<i32>} : memref<1024x256xf32, #tpu.memory_space<vmem>>, vector<1024x256xf32>,
    %get3A_774 = arith.constant 0 : index
    %get3A_775 = arith.constant 0 : index
    %get3A_776 = vector.load %arg7[%get3A_774, %get3A_775] : memref<1024x256xi8, #tpu.memory_space<vmem>>, vector<1024x256xi8>
    %jit3A_777 = arith.constant 24 : i8
    %broadcast_in_dim3A_778 = vector.broadcast %jit3A_777 : i8 to vector<1024x256xi8>
    %select_n3A_779 = arith.select %lt3A_769, %broadcast_in_dim3A_778, %get3A_776 : vector<1024x256xi1>, vector<1024x256xi8>
    %swap3A_780 = arith.constant 0 : index
    %swap3A_781 = arith.constant 0 : index
    %swap3A_782 = vector.load %arg7[%swap3A_780, %swap3A_781] : memref<1024x256xi8, #tpu.memory_space<vmem>>, vector<1024x256xi8>
    tpu.vector_store %arg7[%swap3A_780, %swap3A_781], %select_n3A_779 {strides = array<i32>} : memref<1024x256xi8, #tpu.memory_space<vmem>>, vector<1024x256xi8>,
    %get3A_783 = arith.constant 6400 : index
    %get3A_784 = arith.constant 0 : index
    %get3A_785 = vector.load %arg2[%get3A_783, %get3A_784] : memref<8192x256xf32, #tpu.memory_space<vmem>>, vector<256x256xf32>
    %dot_general3A_786 = arith.constant dense<0.000000e+00> : vector<1024x256xf32>
    %dot_general3A_787 = tpu.matmul %add3A, %get3A_785, %dot_general3A_786 {dimension_numbers = #tpu.dot_dimension_numbers<[1], [1], [0], [0], [0, 0, 1, 0], [], []>, transpose_lhs_hint = false} : vector<1024x256xf32>, vector<256x256xf32>, vector<1024x256xf32> -> vector<1024x256xf32>
    %get3A_788 = arith.constant 0 : index
    %get3A_789 = arith.constant 6400 : index
    %get3A_790 = vector.load %arg5[%get3A_788, %get3A_789] : memref<1x8192xf32, #tpu.memory_space<vmem>>, vector<1x256xf32>
    %get3A_791 = vector.shape_cast %get3A_790 : vector<1x256xf32> to vector<256xf32>
    %sub3A_792 = vector.broadcast %broadcast_in_dim3A : vector<1024x1xf32> to vector<1024x256xf32>
    %sub3A_793 = arith.subf %sub3A_792, %dot_general3A_787 : vector<1024x256xf32>
    %broadcast_in_dim3A_794 = vector.shape_cast %get3A_791 : vector<256xf32> to vector<1x256xf32>
    %add3A_795 = vector.broadcast %broadcast_in_dim3A_794 : vector<1x256xf32> to vector<1024x256xf32>
    %add3A_796 = arith.addf %sub3A_793, %add3A_795 : vector<1024x256xf32>
    %get3A_797 = arith.constant 0 : index
    %get3A_798 = arith.constant 0 : index
    %get3A_799 = vector.load %arg6[%get3A_797, %get3A_798] : memref<1024x256xf32, #tpu.memory_space<vmem>>, vector<1024x256xf32>
    %lt3A_800 = arith.cmpf olt, %add3A_796, %get3A_799 : vector<1024x256xf32>
    %min3A_801 = arith.minimumf %get3A_799, %add3A_796 : vector<1024x256xf32>
    %swap3A_802 = arith.constant 0 : index
    %swap3A_803 = arith.constant 0 : index
    %swap3A_804 = vector.load %arg6[%swap3A_802, %swap3A_803] : memref<1024x256xf32, #tpu.memory_space<vmem>>, vector<1024x256xf32>
    tpu.vector_store %arg6[%swap3A_802, %swap3A_803], %min3A_801 {strides = array<i32>} : memref<1024x256xf32, #tpu.memory_space<vmem>>, vector<1024x256xf32>,
    %get3A_805 = arith.constant 0 : index
    %get3A_806 = arith.constant 0 : index
    %get3A_807 = vector.load %arg7[%get3A_805, %get3A_806] : memref<1024x256xi8, #tpu.memory_space<vmem>>, vector<1024x256xi8>
    %jit3A_808 = arith.constant 25 : i8
    %broadcast_in_dim3A_809 = vector.broadcast %jit3A_808 : i8 to vector<1024x256xi8>
    %select_n3A_810 = arith.select %lt3A_800, %broadcast_in_dim3A_809, %get3A_807 : vector<1024x256xi1>, vector<1024x256xi8>
    %swap3A_811 = arith.constant 0 : index
    %swap3A_812 = arith.constant 0 : index
    %swap3A_813 = vector.load %arg7[%swap3A_811, %swap3A_812] : memref<1024x256xi8, #tpu.memory_space<vmem>>, vector<1024x256xi8>
    tpu.vector_store %arg7[%swap3A_811, %swap3A_812], %select_n3A_810 {strides = array<i32>} : memref<1024x256xi8, #tpu.memory_space<vmem>>, vector<1024x256xi8>,
    %get3A_814 = arith.constant 6656 : index
    %get3A_815 = arith.constant 0 : index
    %get3A_816 = vector.load %arg2[%get3A_814, %get3A_815] : memref<8192x256xf32, #tpu.memory_space<vmem>>, vector<256x256xf32>
    %dot_general3A_817 = arith.constant dense<0.000000e+00> : vector<1024x256xf32>
    %dot_general3A_818 = tpu.matmul %add3A, %get3A_816, %dot_general3A_817 {dimension_numbers = #tpu.dot_dimension_numbers<[1], [1], [0], [0], [0, 0, 1, 0], [], []>, transpose_lhs_hint = false} : vector<1024x256xf32>, vector<256x256xf32>, vector<1024x256xf32> -> vector<1024x256xf32>
    %get3A_819 = arith.constant 0 : index
    %get3A_820 = arith.constant 6656 : index
    %get3A_821 = vector.load %arg5[%get3A_819, %get3A_820] : memref<1x8192xf32, #tpu.memory_space<vmem>>, vector<1x256xf32>
    %get3A_822 = vector.shape_cast %get3A_821 : vector<1x256xf32> to vector<256xf32>
    %sub3A_823 = vector.broadcast %broadcast_in_dim3A : vector<1024x1xf32> to vector<1024x256xf32>
    %sub3A_824 = arith.subf %sub3A_823, %dot_general3A_818 : vector<1024x256xf32>
    %broadcast_in_dim3A_825 = vector.shape_cast %get3A_822 : vector<256xf32> to vector<1x256xf32>
    %add3A_826 = vector.broadcast %broadcast_in_dim3A_825 : vector<1x256xf32> to vector<1024x256xf32>
    %add3A_827 = arith.addf %sub3A_824, %add3A_826 : vector<1024x256xf32>
    %get3A_828 = arith.constant 0 : index
    %get3A_829 = arith.constant 0 : index
    %get3A_830 = vector.load %arg6[%get3A_828, %get3A_829] : memref<1024x256xf32, #tpu.memory_space<vmem>>, vector<1024x256xf32>
    %lt3A_831 = arith.cmpf olt, %add3A_827, %get3A_830 : vector<1024x256xf32>
    %min3A_832 = arith.minimumf %get3A_830, %add3A_827 : vector<1024x256xf32>
    %swap3A_833 = arith.constant 0 : index
    %swap3A_834 = arith.constant 0 : index
    %swap3A_835 = vector.load %arg6[%swap3A_833, %swap3A_834] : memref<1024x256xf32, #tpu.memory_space<vmem>>, vector<1024x256xf32>
    tpu.vector_store %arg6[%swap3A_833, %swap3A_834], %min3A_832 {strides = array<i32>} : memref<1024x256xf32, #tpu.memory_space<vmem>>, vector<1024x256xf32>,
    %get3A_836 = arith.constant 0 : index
    %get3A_837 = arith.constant 0 : index
    %get3A_838 = vector.load %arg7[%get3A_836, %get3A_837] : memref<1024x256xi8, #tpu.memory_space<vmem>>, vector<1024x256xi8>
    %jit3A_839 = arith.constant 26 : i8
    %broadcast_in_dim3A_840 = vector.broadcast %jit3A_839 : i8 to vector<1024x256xi8>
    %select_n3A_841 = arith.select %lt3A_831, %broadcast_in_dim3A_840, %get3A_838 : vector<1024x256xi1>, vector<1024x256xi8>
    %swap3A_842 = arith.constant 0 : index
    %swap3A_843 = arith.constant 0 : index
    %swap3A_844 = vector.load %arg7[%swap3A_842, %swap3A_843] : memref<1024x256xi8, #tpu.memory_space<vmem>>, vector<1024x256xi8>
    tpu.vector_store %arg7[%swap3A_842, %swap3A_843], %select_n3A_841 {strides = array<i32>} : memref<1024x256xi8, #tpu.memory_space<vmem>>, vector<1024x256xi8>,
    %get3A_845 = arith.constant 6912 : index
    %get3A_846 = arith.constant 0 : index
    %get3A_847 = vector.load %arg2[%get3A_845, %get3A_846] : memref<8192x256xf32, #tpu.memory_space<vmem>>, vector<256x256xf32>
    %dot_general3A_848 = arith.constant dense<0.000000e+00> : vector<1024x256xf32>
    %dot_general3A_849 = tpu.matmul %add3A, %get3A_847, %dot_general3A_848 {dimension_numbers = #tpu.dot_dimension_numbers<[1], [1], [0], [0], [0, 0, 1, 0], [], []>, transpose_lhs_hint = false} : vector<1024x256xf32>, vector<256x256xf32>, vector<1024x256xf32> -> vector<1024x256xf32>
    %get3A_850 = arith.constant 0 : index
    %get3A_851 = arith.constant 6912 : index
    %get3A_852 = vector.load %arg5[%get3A_850, %get3A_851] : memref<1x8192xf32, #tpu.memory_space<vmem>>, vector<1x256xf32>
    %get3A_853 = vector.shape_cast %get3A_852 : vector<1x256xf32> to vector<256xf32>
    %sub3A_854 = vector.broadcast %broadcast_in_dim3A : vector<1024x1xf32> to vector<1024x256xf32>
    %sub3A_855 = arith.subf %sub3A_854, %dot_general3A_849 : vector<1024x256xf32>
    %broadcast_in_dim3A_856 = vector.shape_cast %get3A_853 : vector<256xf32> to vector<1x256xf32>
    %add3A_857 = vector.broadcast %broadcast_in_dim3A_856 : vector<1x256xf32> to vector<1024x256xf32>
    %add3A_858 = arith.addf %sub3A_855, %add3A_857 : vector<1024x256xf32>
    %get3A_859 = arith.constant 0 : index
    %get3A_860 = arith.constant 0 : index
    %get3A_861 = vector.load %arg6[%get3A_859, %get3A_860] : memref<1024x256xf32, #tpu.memory_space<vmem>>, vector<1024x256xf32>
    %lt3A_862 = arith.cmpf olt, %add3A_858, %get3A_861 : vector<1024x256xf32>
    %min3A_863 = arith.minimumf %get3A_861, %add3A_858 : vector<1024x256xf32>
    %swap3A_864 = arith.constant 0 : index
    %swap3A_865 = arith.constant 0 : index
    %swap3A_866 = vector.load %arg6[%swap3A_864, %swap3A_865] : memref<1024x256xf32, #tpu.memory_space<vmem>>, vector<1024x256xf32>
    tpu.vector_store %arg6[%swap3A_864, %swap3A_865], %min3A_863 {strides = array<i32>} : memref<1024x256xf32, #tpu.memory_space<vmem>>, vector<1024x256xf32>,
    %get3A_867 = arith.constant 0 : index
    %get3A_868 = arith.constant 0 : index
    %get3A_869 = vector.load %arg7[%get3A_867, %get3A_868] : memref<1024x256xi8, #tpu.memory_space<vmem>>, vector<1024x256xi8>
    %jit3A_870 = arith.constant 27 : i8
    %broadcast_in_dim3A_871 = vector.broadcast %jit3A_870 : i8 to vector<1024x256xi8>
    %select_n3A_872 = arith.select %lt3A_862, %broadcast_in_dim3A_871, %get3A_869 : vector<1024x256xi1>, vector<1024x256xi8>
    %swap3A_873 = arith.constant 0 : index
    %swap3A_874 = arith.constant 0 : index
    %swap3A_875 = vector.load %arg7[%swap3A_873, %swap3A_874] : memref<1024x256xi8, #tpu.memory_space<vmem>>, vector<1024x256xi8>
    tpu.vector_store %arg7[%swap3A_873, %swap3A_874], %select_n3A_872 {strides = array<i32>} : memref<1024x256xi8, #tpu.memory_space<vmem>>, vector<1024x256xi8>,
    %get3A_876 = arith.constant 7168 : index
    %get3A_877 = arith.constant 0 : index
    %get3A_878 = vector.load %arg2[%get3A_876, %get3A_877] : memref<8192x256xf32, #tpu.memory_space<vmem>>, vector<256x256xf32>
    %dot_general3A_879 = arith.constant dense<0.000000e+00> : vector<1024x256xf32>
    %dot_general3A_880 = tpu.matmul %add3A, %get3A_878, %dot_general3A_879 {dimension_numbers = #tpu.dot_dimension_numbers<[1], [1], [0], [0], [0, 0, 1, 0], [], []>, transpose_lhs_hint = false} : vector<1024x256xf32>, vector<256x256xf32>, vector<1024x256xf32> -> vector<1024x256xf32>
    %get3A_881 = arith.constant 0 : index
    %get3A_882 = arith.constant 7168 : index
    %get3A_883 = vector.load %arg5[%get3A_881, %get3A_882] : memref<1x8192xf32, #tpu.memory_space<vmem>>, vector<1x256xf32>
    %get3A_884 = vector.shape_cast %get3A_883 : vector<1x256xf32> to vector<256xf32>
    %sub3A_885 = vector.broadcast %broadcast_in_dim3A : vector<1024x1xf32> to vector<1024x256xf32>
    %sub3A_886 = arith.subf %sub3A_885, %dot_general3A_880 : vector<1024x256xf32>
    %broadcast_in_dim3A_887 = vector.shape_cast %get3A_884 : vector<256xf32> to vector<1x256xf32>
    %add3A_888 = vector.broadcast %broadcast_in_dim3A_887 : vector<1x256xf32> to vector<1024x256xf32>
    %add3A_889 = arith.addf %sub3A_886, %add3A_888 : vector<1024x256xf32>
    %get3A_890 = arith.constant 0 : index
    %get3A_891 = arith.constant 0 : index
    %get3A_892 = vector.load %arg6[%get3A_890, %get3A_891] : memref<1024x256xf32, #tpu.memory_space<vmem>>, vector<1024x256xf32>
    %lt3A_893 = arith.cmpf olt, %add3A_889, %get3A_892 : vector<1024x256xf32>
    %min3A_894 = arith.minimumf %get3A_892, %add3A_889 : vector<1024x256xf32>
    %swap3A_895 = arith.constant 0 : index
    %swap3A_896 = arith.constant 0 : index
    %swap3A_897 = vector.load %arg6[%swap3A_895, %swap3A_896] : memref<1024x256xf32, #tpu.memory_space<vmem>>, vector<1024x256xf32>
    tpu.vector_store %arg6[%swap3A_895, %swap3A_896], %min3A_894 {strides = array<i32>} : memref<1024x256xf32, #tpu.memory_space<vmem>>, vector<1024x256xf32>,
    %get3A_898 = arith.constant 0 : index
    %get3A_899 = arith.constant 0 : index
    %get3A_900 = vector.load %arg7[%get3A_898, %get3A_899] : memref<1024x256xi8, #tpu.memory_space<vmem>>, vector<1024x256xi8>
    %jit3A_901 = arith.constant 28 : i8
    %broadcast_in_dim3A_902 = vector.broadcast %jit3A_901 : i8 to vector<1024x256xi8>
    %select_n3A_903 = arith.select %lt3A_893, %broadcast_in_dim3A_902, %get3A_900 : vector<1024x256xi1>, vector<1024x256xi8>
    %swap3A_904 = arith.constant 0 : index
    %swap3A_905 = arith.constant 0 : index
    %swap3A_906 = vector.load %arg7[%swap3A_904, %swap3A_905] : memref<1024x256xi8, #tpu.memory_space<vmem>>, vector<1024x256xi8>
    tpu.vector_store %arg7[%swap3A_904, %swap3A_905], %select_n3A_903 {strides = array<i32>} : memref<1024x256xi8, #tpu.memory_space<vmem>>, vector<1024x256xi8>,
    %get3A_907 = arith.constant 7424 : index
    %get3A_908 = arith.constant 0 : index
    %get3A_909 = vector.load %arg2[%get3A_907, %get3A_908] : memref<8192x256xf32, #tpu.memory_space<vmem>>, vector<256x256xf32>
    %dot_general3A_910 = arith.constant dense<0.000000e+00> : vector<1024x256xf32>
    %dot_general3A_911 = tpu.matmul %add3A, %get3A_909, %dot_general3A_910 {dimension_numbers = #tpu.dot_dimension_numbers<[1], [1], [0], [0], [0, 0, 1, 0], [], []>, transpose_lhs_hint = false} : vector<1024x256xf32>, vector<256x256xf32>, vector<1024x256xf32> -> vector<1024x256xf32>
    %get3A_912 = arith.constant 0 : index
    %get3A_913 = arith.constant 7424 : index
    %get3A_914 = vector.load %arg5[%get3A_912, %get3A_913] : memref<1x8192xf32, #tpu.memory_space<vmem>>, vector<1x256xf32>
    %get3A_915 = vector.shape_cast %get3A_914 : vector<1x256xf32> to vector<256xf32>
    %sub3A_916 = vector.broadcast %broadcast_in_dim3A : vector<1024x1xf32> to vector<1024x256xf32>
    %sub3A_917 = arith.subf %sub3A_916, %dot_general3A_911 : vector<1024x256xf32>
    %broadcast_in_dim3A_918 = vector.shape_cast %get3A_915 : vector<256xf32> to vector<1x256xf32>
    %add3A_919 = vector.broadcast %broadcast_in_dim3A_918 : vector<1x256xf32> to vector<1024x256xf32>
    %add3A_920 = arith.addf %sub3A_917, %add3A_919 : vector<1024x256xf32>
    %get3A_921 = arith.constant 0 : index
    %get3A_922 = arith.constant 0 : index
    %get3A_923 = vector.load %arg6[%get3A_921, %get3A_922] : memref<1024x256xf32, #tpu.memory_space<vmem>>, vector<1024x256xf32>
    %lt3A_924 = arith.cmpf olt, %add3A_920, %get3A_923 : vector<1024x256xf32>
    %min3A_925 = arith.minimumf %get3A_923, %add3A_920 : vector<1024x256xf32>
    %swap3A_926 = arith.constant 0 : index
    %swap3A_927 = arith.constant 0 : index
    %swap3A_928 = vector.load %arg6[%swap3A_926, %swap3A_927] : memref<1024x256xf32, #tpu.memory_space<vmem>>, vector<1024x256xf32>
    tpu.vector_store %arg6[%swap3A_926, %swap3A_927], %min3A_925 {strides = array<i32>} : memref<1024x256xf32, #tpu.memory_space<vmem>>, vector<1024x256xf32>,
    %get3A_929 = arith.constant 0 : index
    %get3A_930 = arith.constant 0 : index
    %get3A_931 = vector.load %arg7[%get3A_929, %get3A_930] : memref<1024x256xi8, #tpu.memory_space<vmem>>, vector<1024x256xi8>
    %jit3A_932 = arith.constant 29 : i8
    %broadcast_in_dim3A_933 = vector.broadcast %jit3A_932 : i8 to vector<1024x256xi8>
    %select_n3A_934 = arith.select %lt3A_924, %broadcast_in_dim3A_933, %get3A_931 : vector<1024x256xi1>, vector<1024x256xi8>
    %swap3A_935 = arith.constant 0 : index
    %swap3A_936 = arith.constant 0 : index
    %swap3A_937 = vector.load %arg7[%swap3A_935, %swap3A_936] : memref<1024x256xi8, #tpu.memory_space<vmem>>, vector<1024x256xi8>
    tpu.vector_store %arg7[%swap3A_935, %swap3A_936], %select_n3A_934 {strides = array<i32>} : memref<1024x256xi8, #tpu.memory_space<vmem>>, vector<1024x256xi8>,
    %get3A_938 = arith.constant 7680 : index
    %get3A_939 = arith.constant 0 : index
    %get3A_940 = vector.load %arg2[%get3A_938, %get3A_939] : memref<8192x256xf32, #tpu.memory_space<vmem>>, vector<256x256xf32>
    %dot_general3A_941 = arith.constant dense<0.000000e+00> : vector<1024x256xf32>
    %dot_general3A_942 = tpu.matmul %add3A, %get3A_940, %dot_general3A_941 {dimension_numbers = #tpu.dot_dimension_numbers<[1], [1], [0], [0], [0, 0, 1, 0], [], []>, transpose_lhs_hint = false} : vector<1024x256xf32>, vector<256x256xf32>, vector<1024x256xf32> -> vector<1024x256xf32>
    %get3A_943 = arith.constant 0 : index
    %get3A_944 = arith.constant 7680 : index
    %get3A_945 = vector.load %arg5[%get3A_943, %get3A_944] : memref<1x8192xf32, #tpu.memory_space<vmem>>, vector<1x256xf32>
    %get3A_946 = vector.shape_cast %get3A_945 : vector<1x256xf32> to vector<256xf32>
    %sub3A_947 = vector.broadcast %broadcast_in_dim3A : vector<1024x1xf32> to vector<1024x256xf32>
    %sub3A_948 = arith.subf %sub3A_947, %dot_general3A_942 : vector<1024x256xf32>
    %broadcast_in_dim3A_949 = vector.shape_cast %get3A_946 : vector<256xf32> to vector<1x256xf32>
    %add3A_950 = vector.broadcast %broadcast_in_dim3A_949 : vector<1x256xf32> to vector<1024x256xf32>
    %add3A_951 = arith.addf %sub3A_948, %add3A_950 : vector<1024x256xf32>
    %get3A_952 = arith.constant 0 : index
    %get3A_953 = arith.constant 0 : index
    %get3A_954 = vector.load %arg6[%get3A_952, %get3A_953] : memref<1024x256xf32, #tpu.memory_space<vmem>>, vector<1024x256xf32>
    %lt3A_955 = arith.cmpf olt, %add3A_951, %get3A_954 : vector<1024x256xf32>
    %min3A_956 = arith.minimumf %get3A_954, %add3A_951 : vector<1024x256xf32>
    %swap3A_957 = arith.constant 0 : index
    %swap3A_958 = arith.constant 0 : index
    %swap3A_959 = vector.load %arg6[%swap3A_957, %swap3A_958] : memref<1024x256xf32, #tpu.memory_space<vmem>>, vector<1024x256xf32>
    tpu.vector_store %arg6[%swap3A_957, %swap3A_958], %min3A_956 {strides = array<i32>} : memref<1024x256xf32, #tpu.memory_space<vmem>>, vector<1024x256xf32>,
    %get3A_960 = arith.constant 0 : index
    %get3A_961 = arith.constant 0 : index
    %get3A_962 = vector.load %arg7[%get3A_960, %get3A_961] : memref<1024x256xi8, #tpu.memory_space<vmem>>, vector<1024x256xi8>
    %jit3A_963 = arith.constant 30 : i8
    %broadcast_in_dim3A_964 = vector.broadcast %jit3A_963 : i8 to vector<1024x256xi8>
    %select_n3A_965 = arith.select %lt3A_955, %broadcast_in_dim3A_964, %get3A_962 : vector<1024x256xi1>, vector<1024x256xi8>
    %swap3A_966 = arith.constant 0 : index
    %swap3A_967 = arith.constant 0 : index
    %swap3A_968 = vector.load %arg7[%swap3A_966, %swap3A_967] : memref<1024x256xi8, #tpu.memory_space<vmem>>, vector<1024x256xi8>
    tpu.vector_store %arg7[%swap3A_966, %swap3A_967], %select_n3A_965 {strides = array<i32>} : memref<1024x256xi8, #tpu.memory_space<vmem>>, vector<1024x256xi8>,
    %get3A_969 = arith.constant 7936 : index
    %get3A_970 = arith.constant 0 : index
    %get3A_971 = vector.load %arg2[%get3A_969, %get3A_970] : memref<8192x256xf32, #tpu.memory_space<vmem>>, vector<256x256xf32>
    %dot_general3A_972 = arith.constant dense<0.000000e+00> : vector<1024x256xf32>
    %dot_general3A_973 = tpu.matmul %add3A, %get3A_971, %dot_general3A_972 {dimension_numbers = #tpu.dot_dimension_numbers<[1], [1], [0], [0], [0, 0, 1, 0], [], []>, transpose_lhs_hint = false} : vector<1024x256xf32>, vector<256x256xf32>, vector<1024x256xf32> -> vector<1024x256xf32>
    %get3A_974 = arith.constant 0 : index
    %get3A_975 = arith.constant 7936 : index
    %get3A_976 = vector.load %arg5[%get3A_974, %get3A_975] : memref<1x8192xf32, #tpu.memory_space<vmem>>, vector<1x256xf32>
    %get3A_977 = vector.shape_cast %get3A_976 : vector<1x256xf32> to vector<256xf32>
    %sub3A_978 = vector.broadcast %broadcast_in_dim3A : vector<1024x1xf32> to vector<1024x256xf32>
    %sub3A_979 = arith.subf %sub3A_978, %dot_general3A_973 : vector<1024x256xf32>
    %broadcast_in_dim3A_980 = vector.shape_cast %get3A_977 : vector<256xf32> to vector<1x256xf32>
    %add3A_981 = vector.broadcast %broadcast_in_dim3A_980 : vector<1x256xf32> to vector<1024x256xf32>
    %add3A_982 = arith.addf %sub3A_979, %add3A_981 : vector<1024x256xf32>
    %get3A_983 = arith.constant 0 : index
    %get3A_984 = arith.constant 0 : index
    %get3A_985 = vector.load %arg6[%get3A_983, %get3A_984] : memref<1024x256xf32, #tpu.memory_space<vmem>>, vector<1024x256xf32>
    %lt3A_986 = arith.cmpf olt, %add3A_982, %get3A_985 : vector<1024x256xf32>
    %min3A_987 = arith.minimumf %get3A_985, %add3A_982 : vector<1024x256xf32>
    %swap3A_988 = arith.constant 0 : index
    %swap3A_989 = arith.constant 0 : index
    %swap3A_990 = vector.load %arg6[%swap3A_988, %swap3A_989] : memref<1024x256xf32, #tpu.memory_space<vmem>>, vector<1024x256xf32>
    tpu.vector_store %arg6[%swap3A_988, %swap3A_989], %min3A_987 {strides = array<i32>} : memref<1024x256xf32, #tpu.memory_space<vmem>>, vector<1024x256xf32>,
    %get3A_991 = arith.constant 0 : index
    %get3A_992 = arith.constant 0 : index
    %get3A_993 = vector.load %arg7[%get3A_991, %get3A_992] : memref<1024x256xi8, #tpu.memory_space<vmem>>, vector<1024x256xi8>
    %jit3A_994 = arith.constant 31 : i8
    %broadcast_in_dim3A_995 = vector.broadcast %jit3A_994 : i8 to vector<1024x256xi8>
    %select_n3A_996 = arith.select %lt3A_986, %broadcast_in_dim3A_995, %get3A_993 : vector<1024x256xi1>, vector<1024x256xi8>
    %swap3A_997 = arith.constant 0 : index
    %swap3A_998 = arith.constant 0 : index
    %swap3A_999 = vector.load %arg7[%swap3A_997, %swap3A_998] : memref<1024x256xi8, #tpu.memory_space<vmem>>, vector<1024x256xi8>
    tpu.vector_store %arg7[%swap3A_997, %swap3A_998], %select_n3A_996 {strides = array<i32>} : memref<1024x256xi8, #tpu.memory_space<vmem>>, vector<1024x256xi8>,
    %get3A_1000 = arith.constant 0 : index
    %get3A_1001 = arith.constant 0 : index
    %get3A_1002 = vector.load %arg6[%get3A_1000, %get3A_1001] : memref<1024x256xf32, #tpu.memory_space<vmem>>, vector<1024x256xf32>
    %reduce_min3A = arith.constant dense<0x7F800000> : vector<1024xf32>
    %reduce_min3A_1003 = vector.multi_reduction <minimumf>, %get3A_1002, %reduce_min3A [1] : vector<1024x256xf32> to vector<1024xf32>
    %broadcast_in_dim3A_1004 = vector.shape_cast %reduce_min3A_1003 : vector<1024xf32> to vector<1024x1xf32>
    %iota3A = tpu.iota {dimensions = array<i32: 1>} : vector<1024x256xi32>
    %get3A_1005 = arith.constant 0 : index
    %get3A_1006 = arith.constant 0 : index
    %get3A_1007 = vector.load %arg7[%get3A_1005, %get3A_1006] : memref<1024x256xi8, #tpu.memory_space<vmem>>, vector<1024x256xi8>
    %convert_element_type3A_1008 = arith.extsi %get3A_1007 : vector<1024x256xi8> to vector<1024x256xi32>
    %mul3A_1009 = arith.constant 256 : i32
    %mul3A_1010 = vector.broadcast %mul3A_1009 : i32 to vector<1024x256xi32>
    %mul3A_1011 = arith.muli %convert_element_type3A_1008, %mul3A_1010 : vector<1024x256xi32>
    %add3A_1012 = arith.addi %mul3A_1011, %iota3A : vector<1024x256xi32>
    %eq3A_1013 = vector.broadcast %broadcast_in_dim3A_1004 : vector<1024x1xf32> to vector<1024x256xf32>
    %eq3A_1014 = arith.cmpf oeq, %get3A_1002, %eq3A_1013 : vector<1024x256xf32>
    %jit3A_1015 = arith.constant 8192 : i32
    %broadcast_in_dim3A_1016 = vector.broadcast %jit3A_1015 : i32 to vector<1024x256xi32>
    %select_n3A_1017 = arith.select %eq3A_1014, %add3A_1012, %broadcast_in_dim3A_1016 : vector<1024x256xi1>, vector<1024x256xi32>
    %reduce_min3A_1018 = arith.constant dense<2147483647> : vector<1024xi32>
    %reduce_min3A_1019 = vector.multi_reduction <minsi>, %select_n3A_1017, %reduce_min3A_1018 [1] : vector<1024x256xi32> to vector<1024xi32>
    %broadcast_in_dim3A_1020 = vector.shape_cast %reduce_min3A_1019 : vector<1024xi32> to vector<1024x1xi32>
    %swap3A_1021 = arith.constant 0 : index
    %swap3A_1022 = arith.constant 0 : index
    %swap3A_1023 = arith.constant 0 : index
    %swap3A_1024 = vector.load %arg3[%swap3A_1021, %swap3A_1022, %swap3A_1023] : memref<1x1024x1xi32, #tpu.memory_space<vmem>>, vector<1x1024x1xi32>
    %swap3A_1025 = vector.shape_cast %swap3A_1024 : vector<1x1024x1xi32> to vector<1024x1xi32>
    %swap3A_1026 = vector.shape_cast %broadcast_in_dim3A_1020 : vector<1024x1xi32> to vector<1x1024x1xi32>
    tpu.vector_store %arg3[%swap3A_1021, %swap3A_1022, %swap3A_1023], %swap3A_1026 {strides = array<i32>} : memref<1x1024x1xi32, #tpu.memory_space<vmem>>, vector<1x1024x1xi32>,
    %swap3A_1027 = arith.constant 0 : index
    %swap3A_1028 = arith.constant 0 : index
    %swap3A_1029 = arith.constant 0 : index
    %swap3A_1030 = vector.load %arg4[%swap3A_1027, %swap3A_1028, %swap3A_1029] : memref<1x1024x1xf32, #tpu.memory_space<vmem>>, vector<1x1024x1xf32>
    %swap3A_1031 = vector.shape_cast %swap3A_1030 : vector<1x1024x1xf32> to vector<1024x1xf32>
    %swap3A_1032 = vector.shape_cast %broadcast_in_dim3A_1004 : vector<1024x1xf32> to vector<1x1024x1xf32>
    tpu.vector_store %arg4[%swap3A_1027, %swap3A_1028, %swap3A_1029], %swap3A_1032 {strides = array<i32>} : memref<1x1024x1xf32, #tpu.memory_space<vmem>>, vector<1x1024x1xf32>,
    return
  }
  func.func @transform_0(%arg0: i32) -> (i32, i32) {
    %c0_i32 = arith.constant 0 : i32
    %c0_i32_0 = arith.constant 0 : i32
    return %arg0, %c0_i32 : i32, i32
  }
  func.func @transform_1(%arg0: i32) -> (i32, i32) {
    %c0_i32 = arith.constant 0 : i32
    %c0_i32_0 = arith.constant 0 : i32
    %c0_i32_1 = arith.constant 0 : i32
    return %c0_i32, %c0_i32_0 : i32, i32
  }
  func.func @transform_2(%arg0: i32) -> (i32, i32, i32) {
    %c0_i32 = arith.constant 0 : i32
    %c0_i32_0 = arith.constant 0 : i32
    %c0_i32_1 = arith.constant 0 : i32
    return %arg0, %c0_i32, %c0_i32_0 : i32, i32, i32
  }
  func.func @transform_3(%arg0: i32) -> (i32, i32, i32) {
    %c0_i32 = arith.constant 0 : i32
    %c0_i32_0 = arith.constant 0 : i32
    %c0_i32_1 = arith.constant 0 : i32
    return %arg0, %c0_i32, %c0_i32_0 : i32, i32, i32
  }
}

</mosaic_0001>

<sc_bundles>
// kernel: kernel.4.cloned.1.call-start
scs
__scs_entry_jumppad:
0x0: {  	(pc) =	sbr.rel $0x88, $3  }
0x1: {  	(tag) =	ssettag $0x0;
	lr =	simm.s32 $0x1  }
0x2: {  	[smem:$0x3F9F] =	sst lr;
	_ =	strace $0xD0000000  }
0x3: {  	_ = 	snop  }
0x4: {  	_ = 	snop  }
0x5: {  	_ = 	snop  }
0x6: {  	_ = 	snop  }
0x7: {  	_ = 	snop  }
__scs_overlays_trampoline_lowered:
0x8: {  	[smem:$0x3FAE] =	sst s0  }
0x9: {  	[smem:$0x3FAF] =	sst s1  }
0xa: {  	[smem:$0x3FB0] =	sst s2  }
0xb: {  	[smem:$0x3FB1] =	sst s3  }
0xc: {  	[smem:$0x3FB2] =	sst s4  }
0xd: {  	[smem:$0x3FB3] =	sst s5  }
0xe: {  	[smem:$0x3FB4] =	sst s6  }
0xf: {  	[smem:$0x3FB5] =	sst s7  }
0x10: {  	[smem:$0x3FB6] =	sst s8  }
0x11: {  	[smem:$0x3FB7] =	sst s9;
	s0 =	simm.s32 @!p0 $0x0  }
0x12: {  	s1 =	sld [smem:$0x3F9D];
	s0 =	simm.s32 @p0 $0x1  }
0x13: {  	[smem:$0x3FB8] =	sst s0;
	s0 =	simm.s32 @!p1 $0x0  }
0x14: {  	s2 =	sld [smem:$0x3F9C];
	s0 =	simm.s32 @p1 $0x1  }
0x15: {  	[smem:$0x3FB9] =	sst s0;
	s0 =	simm.s32 @!p2 $0x0  }
0x16: {  	s3 =	sld [smem:$0x3FDB];
	s0 =	simm.s32 @p2 $0x1  }
0x17: {  	s4 =	simm.s32 $0x1BF5;
	[smem:$0x3FBB] =	sst s0  }
0x18: {  	s0 =	sld [smem:$0x3F9E];
	_ =	swait.ge [sflag:s4], $0x0  }
0x19: {  	s7 =	sld [smem:$0x3F9F]  }
0x1a: {  	s8 =	sadd.s32 $0xFFFFE003, lr  }
0x1b: {  	s9 =	sadd.s32 $0xFFFFFEF7, lr;
	s5 =	simm.s32 $0xFFFFFFFF;
	p2 =	slt.u32 s8, $0xFFFFF086  }
0x1c: {  	p1 =	slt.u32 s9, $0xF7A;
	s5 =	simm.s32 @!p2 $0x0  }
0x1d: {  	s5 =	simm.s32 @p1 $0x1;
	p0 =	seq.s32 s7, s2  }
0x1e: {  	s7 =	smul.u32 @!p0 $0xF7A, s2;
	p2 =	seq.s32 @!p0 s5, $0x0  }
0x1f: {  	s9 =	smul.u32 $0xF7A, s1;
	s8 =	simm.s32 @!p0 $0x1BF5;
	p2 =	por !p2, p0  }
0x20: {  	[sflag:s8] =	ssyncset.s32 @!p0 $0xFFFFF086;
	s6 =	sadd.s32 @!p0 s3, s7;
	s7 =	simm.s32 @!p0 $0x108  }
0x21: {  	s3 =	sadd.s32 s3, s9;
	s6 =	sadd.s32 @!p0 $0x88, s6;
	s7 =	simm.s32 @p2 $0x1082  }
0x22: {  	[simem:s7], [sflag:s8] =	dma.local @!p0 [hbm:s6], $0xF7A  }
0x23: {  	s9 =	sor.u32 $0xD0000000, s2;
	s6 =	simm.s32 $0x108;
	_ =	swait.ge @!p0 [sflag:s8], $0x0  }
0x24: {  	s3 =	sadd.s32 $0x88, s3;
	s6 =	simm.s32 @!p1 $0x1082;
	[sflag:s4] =	ssyncset.s32 $0xFFFFF086  }
0x25: {  	[simem:s6], [sflag:s4] =	dma.local [hbm:s3], $0xF7A  }
0x26: {  	[smem:$0x3F9F] =	sst s1;
	(tag) =	ssettag s2;
	_ =	strace s9  }
0x27: {  	s1 =	sld [smem:$0x3FAF]  }
0x28: {  	s2 =	sld [smem:$0x3FB0]  }
0x29: {  	s4 =	sld [smem:$0x3FB2]  }
0x2a: {  	p0 =	seq.s32 s5, $0x0;
	s5 =	sld [smem:$0x3FB3]  }
0x2b: {  	s6 =	sld [smem:$0x3FB4]  }
0x2c: {  	s7 =	sld [smem:$0x3FB5]  }
0x2d: {  	s3 =	simm.s32 $0x108;
	s8 =	sld [smem:$0x3FB6]  }
0x2e: {  	s3 =	simm.s32 @!p0 $0x1082;
	s9 =	sld [smem:$0x3FB7]  }
0x2f: {  	lr =	sadd.s32 s0, s3;
	s0 =	sld [smem:$0x3FAE]  }
0x30: {  	s3 =	sld [smem:$0x3FB1]  }
0x31: {  	[smem:$0x3FBA] =	sst s10  }
0x32: {  	s10 =	sld [smem:$0x3FB8];
	_ =	sdelay $0x3  }
0x33: {  	p0 =	seq.s32 s10, $0x1;
	s10 =	sld [smem:$0x3FBA];
	_ =	sdelay $0x3  }
0x34: {  	[smem:$0x3FBA] =	sst s10  }
0x35: {  	s10 =	sld [smem:$0x3FB9];
	_ =	sdelay $0x3  }
0x36: {  	p1 =	seq.s32 s10, $0x1;
	s10 =	sld [smem:$0x3FBA];
	_ =	sdelay $0x3  }
0x37: {  	[smem:$0x3FBA] =	sst s10  }
0x38: {  	s10 =	sld [smem:$0x3FBB]  }
0x39: {  	_ = 	snop;
	(pc) =	sbr.ind lr, $3  }
0x3a: {  	_ = 	snop  }
0x3b: {  	_ = 	snop  }
0x3c: {  	p2 =	seq.s32 s10, $0x1;
	s10 =	sld [smem:$0x3FBA]  }
0x3d: {  	_ =	shalt  }
0x3e: {  	_ =	shalt  }
0x3f: {  	_ =	shalt  }
0x40: {  	_ =	shalt  }
0x41: {  	_ =	shalt  }
0x42: {  	_ =	shalt  }
0x43: {  	_ =	shalt  }
0x44: {  	_ =	shalt  }
0x45: {  	_ =	shalt  }
0x46: {  	_ =	shalt  }
0x47: {  	_ =	shalt  }
0x48: {  	_ =	shalt  }
0x49: {  	_ =	shalt  }
0x4a: {  	_ =	shalt  }
0x4b: {  	_ =	shalt  }
0x4c: {  	_ =	shalt  }
0x4d: {  	_ =	shalt  }
0x4e: {  	_ =	shalt  }
0x4f: {  	_ =	shalt  }
0x50: {  	_ =	shalt  }
0x51: {  	_ =	shalt  }
0x52: {  	_ =	shalt  }
0x53: {  	_ =	shalt  }
0x54: {  	_ =	shalt  }
0x55: {  	_ =	shalt  }
0x56: {  	_ =	shalt  }
0x57: {  	_ =	shalt  }
0x58: {  	_ =	shalt  }
0x59: {  	_ =	shalt  }
0x5a: {  	_ =	shalt  }
0x5b: {  	_ =	shalt  }
0x5c: {  	_ =	shalt  }
0x5d: {  	_ =	shalt  }
0x5e: {  	_ =	shalt  }
0x5f: {  	_ =	shalt  }
0x60: {  	_ =	shalt  }
0x61: {  	_ =	shalt  }
0x62: {  	_ =	shalt  }
0x63: {  	_ =	shalt  }
0x64: {  	_ =	shalt  }
0x65: {  	_ =	shalt  }
0x66: {  	_ =	shalt  }
0x67: {  	_ =	shalt  }
0x68: {  	_ =	shalt  }
0x69: {  	_ =	shalt  }
0x6a: {  	_ =	shalt  }
0x6b: {  	_ =	shalt  }
0x6c: {  	_ =	shalt  }
0x6d: {  	_ =	shalt  }
0x6e: {  	_ =	shalt  }
0x6f: {  	_ =	shalt  }
0x70: {  	_ =	shalt  }
0x71: {  	_ =	shalt  }
0x72: {  	_ =	shalt  }
0x73: {  	_ =	shalt  }
0x74: {  	_ =	shalt  }
0x75: {  	_ =	shalt  }
0x76: {  	_ =	shalt  }
0x77: {  	_ =	shalt  }
0x78: {  	_ =	shalt  }
0x79: {  	_ =	shalt  }
0x7a: {  	_ =	shalt  }
0x7b: {  	_ =	shalt  }
0x7c: {  	_ =	shalt  }
0x7d: {  	_ =	shalt  }
0x7e: {  	_ =	shalt  }
0x7f: {  	_ =	shalt  }
0x80: {  	_ =	shalt  }
0x81: {  	_ =	shalt  }
0x82: {  	_ =	shalt  }
0x83: {  	_ =	shalt  }
0x84: {  	_ =	shalt  }
0x85: {  	_ =	shalt  }
0x86: {  	_ =	shalt  }
0x87: {  	_ =	shalt  }
.Lfunc_end0:
.L_simem_size_0:
called_computation_lowered:
.L_overlay_start_0:
0x88: {  	s2 =	sld [smem:$0x3FD9]  }
0x89: {  	s3 =	sld [smem:$0x3FFE];
	_ =	sdelay $0x1  }
0x8a: {  	s1 =	srdreg.scid  }
0x8b: {  	s0 =	sand.u32 $0x1, s1  }
0x8c: {  	s14 =	sshll.u32 s0, $0xA;
	s2 =	sadd.s32 s3, s2  }
0x8d: {  	s2 =	sadd.s32 s2, s14  }
0x8e: {  	[smem:$0x3FC6] =	sst s2  }
0x8f: {  	_ = 	snop  }
0x90: {  	s2 =	sld [smem:$0x3FD0];
	_ =	sdelay $0x2  }
0x91: {  	s4 =	simm.s32 $0xA;
	s5 =	simm.s32 $0x10;
	s15 =	sld [smem:$0x3FC8]  }
0x92: {  	[smem:s5], [sflag:s4] =	dma.local [hbm:s2], $0x1  }
0x93: {  	_ =	swait.eq [sflag:s4], $0x1  }
0x94: {  	[sflag:s4] =	ssyncset.done $0x0  }
0x95: {  	[sflag:s4] =	ssyncadd.s32 $0xFFFFFFFF  }
0x96: {  	s16 =	sld [smem:$0x10];
	(tm) =	ssettm $0x1  }
0x97: {  	s17 =	sld [smem:$0x3FFB];
	_ =	sdelay $0x3  }
0x98: {  	_ =	strace s17  }
0x99: {  	s4 =	sld [smem:$0x3FFC];
	_ =	sdelay $0x3  }
0x9a: {  	_ =	strace s4  }
0x9b: {  	s4 =	sld [smem:$0x3FFD];
	_ =	sdelay $0x3  }
0x9c: {  	_ =	strace s4  }
0x9d: {  	_ =	strace $0x8FFFFFFF  }
0x9e: {  	s18 =	sld [smem:$0x3FDB];
	_ =	sdelay $0x1  }
0x9f: {  	s19 =	simm.s32 $_scs_section_size  }
0xa0: {  	s6 =	simm.s32 $_size__tile_overlayer_lowered;
	s7 =	simm.s32 $_tile_overlayer_lowered  }
0xa1: {  	s22 =	simm.s32 $0x1BFF;
	s21 =	sshll.u32 s7, $0x1;
	s4 =	sadd.s32 s19, s18  }
0xa2: {  	s8 =	simm.s32 $0x0;
	s20 =	sshll.u32 s6, $0x1;
	s6 =	sadd.s32 s21, s4  }
0xa3: {  	[timem:s8], [sflag:s22] =	dma.local [hbm:s6], s20  }
0xa4: {  	_ =	swait.ge [sflag:s22], s20  }
0xa5: {  	s5 =	ssub.s32 $0x0, s20;
	[sflag:s22] =	ssyncset.done $0x0  }
0xa6: {  	[sflag:s22] =	ssyncadd.s32 s5;
	_ =	sdelay $0x1  }
0xa7: {  	s23 =	simm.s32 $0x1B8B  }
0xa8: {  	_ =	swait.ge [sflag:s23], $0x1  }
0xa9: {  	[sflag:s23] =	ssyncset.done $0x0  }
0xaa: {  	s25 =	simm.s32 $0x1B8E;
	s24 =	sld [smem:$0x3FFE];
	[sflag:s23] =	ssyncadd.s32 $0xFFFFFFFF  }
0xab: {  	s26 =	simm.s32 $execute0_lowered;
	[smem:$0x3FD2] =	sst s25  }
0xac: {  	s6 =	sshll.u32 s26, $0x1;
	_ =	strace $0x80000046;
	[dreg:$0x1] =	wrdreg $0xFFFFFFFF  }
0xad: {  	s28 =	simm.s32 $_size_execute0_lowered;
	s4 =	sadd.s32 s4, s6;
	[dreg:$0x0] =	wrdreg $0x0  }
0xae: {  	s6 =	sshll.u32 s28, $0x1;
	[dreg:$0x2] =	wrdreg s4  }
0xaf: {  	[dreg:$0x3] =	wrdreg s6  }
0xb0: {  	[dreg:$0x4] =	wrdreg $0xC0  }
0xb1: {  	_ =	task [dreg:s8], $0x5FFFF  }
0xb2: {  	[dreg:$0x1] =	wrdreg $0xFFFFFFFF  }
0xb3: {  	[dreg:$0x0] =	wrdreg $0x60  }
0xb4: {  	[dreg:$0x2] =	wrdreg s15  }
0xb5: {  	[dreg:$0x3] =	wrdreg s24  }
0xb6: {  	[dreg:$0x4] =	wrdreg s16  }
0xb7: {  	[dreg:$0x5] =	wrdreg $0x9  }
0xb8: {  	_ =	task.clear_ibuf [dreg:s8], $0x6FFFF;
	_ =	strace $0x90000046  }
0xb9: {  	s29 =	simm.s32 $0x9;
	_ =	strace $0x80000048  }
0xba: {  	_ =	swait.ge [sflag:s29], $0x1  }
0xbb: {  	[sflag:s29] =	ssyncadd.s32 $0xFFFFFFFF  }
0xbc: {  	_ =	strace $0x90000048  }
0xbd: {  	_ =	sfence  }
0xbe: {  	s30 =	sld [smem:$0x0];
	_ =	sdelay $0x2  }
0xbf: {  	s31 =	sshll.u32 s1, $0xD;
	s1 =	sshrl.u32 s1, $0x2  }
0xc0: {  	s3 =	sand.u32 $0x4000, s31;
	s1 =	sadd.s32 s1, s30  }
0xc1: {  	s0 =	sor.u32 s3, s0;
	s1 =	sshll.u32 s1, $0x11  }
0xc2: {  	s0 =	sor.u32 s1, s0  }
0xc3: {  	s0 =	sadd.s32 $0x8F2B, s0  }
0xc4: {  	[sflag:s0] =	ssyncadd.remote.s32 $0x1  }
0xc5: {  	_ =	sfence.sel $0xFFFF  }
0xc6: {  	[dreg:$0x0] =	wrdreg $0xFFFFFFFF;
	(pc) =	sbr.abs _section_cstart, $3  }
0xc7: {  	[dreg:$0x1] =	wrdreg $0xFFFFFFFF  }
0xc8: {  	_ =	task.clear_ibuf [dreg:s8], $0x2FFFF;
	_ =	strace $0x9FFFFFFF  }
0xc9: {  	(tm) =	ssettm $0x7FFFFFFF  }
tec
execute0_lowered:
.L_overlay_start_1:
0x0: {  	(tag) =	ssettag $0x1  }
0x1: {  	s1 =	rddreg [dreg:$0x0]  }
0x2: {  	s0 =	rddreg [dreg:$0x1];
	s2 =	srdreg.scid  }
0x3: {  	s3 =	stileid.u32;
	s4 =	rddreg [dreg:$0x2]  }
0x4: {  	s11 =	simm.s32 $0x2;
	s28 =	simm.s32 $0x2400;
	s29 =	simm.s32 $0x2C00  }
0x5: {  	s30 =	simm.s32 $0x3400;
	s8 =	simm.s32 $0x4C00;
	s9 =	simm.s32 $0x5400  }
0x6: {  	s10 =	simm.s32 $0x5C00;
	s12 =	simm.s32 $0x7400;
	s13 =	simm.s32 $0x7C00  }
0x7: {  	s14 =	simm.s32 $0x8400;
	s15 =	simm.s32 $0x8C00;
	s16 =	simm.s32 $0x9400  }
0x8: {  	s18 =	simm.s32 $0xAC00;
	s2 =	sand.u32 $0x1, s2;
	s3 =	sshll.u32 s3, $0x1  }
0x9: {  	s31 =	simm.s32 $0xB400;
	s17 =	simm.s32 $0x1;
	s5 =	sor.u32 s2, s3  }
0xa: {  	s3 =	simm.s32 $0x0;
	s2 =	ssub.s32 $0x2, s2;
	s7 =	smul.u32 $0x24000, s5  }
0xb: {  	s6 =	sshll.u32 s5, $0x7;
	[smem:$0x7FF] =	sst s3;
	s5 =	smul.u32 $0x4800, s5  }
0xc: {  	s24 =	sshrl.u32 s2, $0x1;
	s0 =	sadd.s32 s6, s0;
	_ =	strace $0x80000047  }
0xd: {  	s2 =	ssub.s32 s2, s24;
	s0 =	sadd.s32 $0x48A00, s0;
	s19 =	sshrl.u32 s7, $0x3  }
0xe: {  	s20 =	sadd.s32 s4, s5;
	[dreg:$0x4] =	wrdreg s0;
	s4 =	sadd.s32 s4, s19  }
0xf: {  	s24 =	simm.s32 $0xC00;
	[dreg:$0x5] =	wrdreg s20;
	s21 =	sadd.s32 $0xC00, s4  }
0x10: {  	s7 =	simm.s32 $0x4400;
	s22 =	sadd.s32 $0x1800, s4;
	[dreg:$0x6] =	wrdreg s21  }
0x11: {  	s19 =	simm.s32 $0x4;
	s23 =	sadd.s32 $0x2400, s4;
	[dreg:$0x7] =	wrdreg s22  }
0x12: {  	s20 =	simm.s32 $0x3;
	s25 =	sadd.s32 $0x3000, s4;
	[dreg:$0x8] =	wrdreg s23  }
0x13: {  	v2 =	vlaneseq.u32;
	s26 =	sadd.s32 $0x3C00, s4;
	s4 =	smax.u32 s2, $0x1;
	[dreg:$0x9] =	wrdreg s25  }
0x14: {  	vm0 =	vmmov $0xffff;
	v1 =	vshrl.u32 v2, $0x3;
	s2 =	simm.s32 $0x6400;
	[dreg:$0xa] =	wrdreg s26;
	s21 =	simm.s32 $0x5  }
0x15: {  	v0 =	vand.u32 $0x7, v2;
	v2 =	vor.u32 $0x8, v2;
	v1 =	vmul.u32 $0x8, v1;
	s22 =	simm.s32 $0x6;
	s25 =	simm.s32 $0x1400;
	s26 =	simm.s32 $0x1C00  }
.LBB2_1:
0x16: {  	s23 =	rddreg [dreg:$0x4];
	s0 =	simm.s32 $0x7  }
0x17: {  	[tilespmem:s3], [sflag:$0x7] =	stream.linear.gather [hbm4b:s23+s3], $0x300, $0x38;
	[tilespmem:$0x12400] =	vst v63  }
0x18: {  	_ =	swait.ge [sflag:s0], $0x300  }
0x19: {  	[sflag:s0] =	ssyncset.done $0x0  }
0x1a: {  	[sflag:s0] =	ssyncadd.s32 $0xFFFFFD00  }
0x1b: {  	v3 =	vld [tilespmem:$0x0];
	_ =	sdelay $0x4  }
0x1c: {  	v4 =	vshll.u32 v3, $0x1  }
0x1d: {  	v3 =	vand.u32 $0x7, v3;
	v4 =	vand.u32 $0xFFFFFFF0, v4  }
0x1e: {  	v3 =	vor.u32 v3, v4  }
0x1f: {  	v4 =	vperm.xlane v3, v0;
	_ =	sdelay $0x1  }
0x20: {  	v3 =	vperm.xlane v3, v2;
	v4 =	vadd.s32 v1, v4;
	_ =	sdelay $0x1  }
0x21: {  	v3 =	vadd.s32 v1, v3;
	_ =	sdelay $0x1  }
0x22: {  	s5 =	simm.s32 $0x400  }
0x23: {  	[tilespmem:s5], [sflag:$0x1] =	stream.indirect_vreg.gather [hbm4b:s1+s3], $0x80, v4, vm0, $0xb8;
	[tilespmem:$0x12400] =	vst v63  }
0x24: {  	_ = 	snop  }
0x25: {  	[tilespmem:s24], [sflag:$0x1] =	stream.indirect_vreg.gather [hbm4b:s1+s3], $0x80, v3, vm0, $0xb8;
	[tilespmem:$0x12400] =	vst v63  }
0x26: {  	v3 =	vld [tilespmem:$0x10];
	_ =	sdelay $0x4  }
0x27: {  	v29 =	vshll.u32 v3, $0x1  }
0x28: {  	v3 =	vand.u32 $0x7, v3;
	v4 =	vand.u32 $0xFFFFFFF0, v29  }
0x29: {  	v3 =	vor.u32 v3, v4  }
0x2a: {  	v4 =	vperm.xlane v3, v0;
	_ =	sdelay $0x1  }
0x2b: {  	v3 =	vperm.xlane v3, v2;
	v4 =	vadd.s32 v1, v4;
	_ =	sdelay $0x1  }
0x2c: {  	v3 =	vadd.s32 v1, v3;
	_ =	sdelay $0x2  }
0x2d: {  	[tilespmem:s25], [sflag:$0x1] =	stream.indirect_vreg.gather [hbm4b:s1+s3], $0x80, v4, vm0, $0xb8;
	[tilespmem:$0x12400] =	vst v63  }
0x2e: {  	_ = 	snop  }
0x2f: {  	[tilespmem:s26], [sflag:$0x1] =	stream.indirect_vreg.gather [hbm4b:s1+s3], $0x80, v3, vm0, $0xb8;
	[tilespmem:$0x12400] =	vst v63  }
0x30: {  	v3 =	vld [tilespmem:$0x20];
	_ =	sdelay $0x4  }
0x31: {  	v30 =	vshll.u32 v3, $0x1  }
0x32: {  	v3 =	vand.u32 $0x7, v3;
	v4 =	vand.u32 $0xFFFFFFF0, v30  }
0x33: {  	v3 =	vor.u32 v3, v4  }
0x34: {  	v4 =	vperm.xlane v3, v0;
	_ =	sdelay $0x1  }
0x35: {  	v3 =	vperm.xlane v3, v2;
	v4 =	vadd.s32 v1, v4;
	_ =	sdelay $0x1  }
0x36: {  	v3 =	vadd.s32 v1, v3;
	_ =	sdelay $0x2  }
0x37: {  	[tilespmem:s28], [sflag:$0x1] =	stream.indirect_vreg.gather [hbm4b:s1+s3], $0x80, v4, vm0, $0xb8;
	[tilespmem:$0x12400] =	vst v63  }
0x38: {  	_ = 	snop  }
0x39: {  	[tilespmem:s29], [sflag:$0x1] =	stream.indirect_vreg.gather [hbm4b:s1+s3], $0x80, v3, vm0, $0xb8;
	[tilespmem:$0x12400] =	vst v63  }
0x3a: {  	v3 =	vld [tilespmem:$0x30];
	_ =	sdelay $0x4  }
0x3b: {  	v31 =	vshll.u32 v3, $0x1  }
0x3c: {  	v3 =	vand.u32 $0x7, v3;
	v4 =	vand.u32 $0xFFFFFFF0, v31  }
0x3d: {  	v3 =	vor.u32 v3, v4  }
0x3e: {  	v4 =	vperm.xlane v3, v0;
	_ =	sdelay $0x1  }
0x3f: {  	v3 =	vperm.xlane v3, v2;
	v4 =	vadd.s32 v1, v4;
	_ =	sdelay $0x1  }
0x40: {  	v3 =	vadd.s32 v1, v3;
	_ =	sdelay $0x2  }
0x41: {  	[tilespmem:s30], [sflag:$0x1] =	stream.indirect_vreg.gather [hbm4b:s1+s3], $0x80, v4, vm0, $0xb8;
	[tilespmem:$0x12400] =	vst v63  }
0x42: {  	s0 =	simm.s32 $0x3C00  }
0x43: {  	[tilespmem:s0], [sflag:$0x1] =	stream.indirect_vreg.gather [hbm4b:s1+s3], $0x80, v3, vm0, $0xb8;
	[tilespmem:$0x12400] =	vst v63  }
0x44: {  	v3 =	vld [tilespmem:$0x40];
	_ =	sdelay $0x4  }
0x45: {  	v32 =	vshll.u32 v3, $0x1  }
0x46: {  	v3 =	vand.u32 $0x7, v3;
	v4 =	vand.u32 $0xFFFFFFF0, v32  }
0x47: {  	v3 =	vor.u32 v3, v4  }
0x48: {  	v4 =	vperm.xlane v3, v0;
	_ =	sdelay $0x1  }
0x49: {  	v3 =	vperm.xlane v3, v2;
	v4 =	vadd.s32 v1, v4;
	_ =	sdelay $0x1  }
0x4a: {  	v3 =	vadd.s32 v1, v3;
	_ =	sdelay $0x2  }
0x4b: {  	[tilespmem:s7], [sflag:$0x1] =	stream.indirect_vreg.gather [hbm4b:s1+s3], $0x80, v4, vm0, $0xb8;
	[tilespmem:$0x12400] =	vst v63  }
0x4c: {  	_ = 	snop  }
0x4d: {  	[tilespmem:s8], [sflag:$0x1] =	stream.indirect_vreg.gather [hbm4b:s1+s3], $0x80, v3, vm0, $0xb8;
	[tilespmem:$0x12400] =	vst v63  }
0x4e: {  	v3 =	vld [tilespmem:$0x50];
	_ =	sdelay $0x4  }
0x4f: {  	v33 =	vshll.u32 v3, $0x1  }
0x50: {  	v3 =	vand.u32 $0x7, v3;
	v4 =	vand.u32 $0xFFFFFFF0, v33  }
0x51: {  	v3 =	vor.u32 v3, v4  }
0x52: {  	v4 =	vperm.xlane v3, v0;
	_ =	sdelay $0x1  }
0x53: {  	v3 =	vperm.xlane v3, v2;
	v4 =	vadd.s32 v1, v4;
	_ =	sdelay $0x1  }
0x54: {  	v3 =	vadd.s32 v1, v3;
	_ =	sdelay $0x2  }
0x55: {  	[tilespmem:s9], [sflag:$0x1] =	stream.indirect_vreg.gather [hbm4b:s1+s3], $0x80, v4, vm0, $0xb8;
	[tilespmem:$0x12400] =	vst v63  }
0x56: {  	_ = 	snop  }
0x57: {  	[tilespmem:s10], [sflag:$0x1] =	stream.indirect_vreg.gather [hbm4b:s1+s3], $0x80, v3, vm0, $0xb8;
	[tilespmem:$0x12400] =	vst v63  }
0x58: {  	v3 =	vld [tilespmem:$0x80];
	_ =	sdelay $0x4  }
0x59: {  	v34 =	vshll.u32 v3, $0x1  }
0x5a: {  	v3 =	vand.u32 $0x7, v3;
	v4 =	vand.u32 $0xFFFFFFF0, v34  }
0x5b: {  	v3 =	vor.u32 v3, v4  }
0x5c: {  	v4 =	vperm.xlane v3, v0;
	_ =	sdelay $0x1  }
0x5d: {  	v3 =	vperm.xlane v3, v2;
	v4 =	vadd.s32 v1, v4;
	_ =	sdelay $0x1  }
0x5e: {  	v3 =	vadd.s32 v1, v3;
	_ =	sdelay $0x2  }
0x5f: {  	[tilespmem:s2], [sflag:$0x2] =	stream.indirect_vreg.gather [hbm4b:s1+s3], $0x80, v4, vm0, $0xb8;
	[tilespmem:$0x12400] =	vst v63  }
0x60: {  	s5 =	simm.s32 $0x6C00  }
0x61: {  	[tilespmem:s5], [sflag:$0x2] =	stream.indirect_vreg.gather [hbm4b:s1+s3], $0x80, v3, vm0, $0xb8;
	[tilespmem:$0x12400] =	vst v63  }
0x62: {  	v3 =	vld [tilespmem:$0x90];
	_ =	sdelay $0x4  }
0x63: {  	v35 =	vshll.u32 v3, $0x1  }
0x64: {  	v3 =	vand.u32 $0x7, v3;
	v4 =	vand.u32 $0xFFFFFFF0, v35  }
0x65: {  	v3 =	vor.u32 v3, v4  }
0x66: {  	v4 =	vperm.xlane v3, v0;
	_ =	sdelay $0x1  }
0x67: {  	v3 =	vperm.xlane v3, v2;
	v4 =	vadd.s32 v1, v4;
	_ =	sdelay $0x1  }
0x68: {  	v3 =	vadd.s32 v1, v3;
	_ =	sdelay $0x2  }
0x69: {  	[tilespmem:s12], [sflag:$0x2] =	stream.indirect_vreg.gather [hbm4b:s1+s3], $0x80, v4, vm0, $0xb8;
	[tilespmem:$0x12400] =	vst v63  }
0x6a: {  	_ = 	snop  }
0x6b: {  	[tilespmem:s13], [sflag:$0x2] =	stream.indirect_vreg.gather [hbm4b:s1+s3], $0x80, v3, vm0, $0xb8;
	[tilespmem:$0x12400] =	vst v63  }
0x6c: {  	v3 =	vld [tilespmem:$0xA0];
	_ =	sdelay $0x4  }
0x6d: {  	v36 =	vshll.u32 v3, $0x1  }
0x6e: {  	v3 =	vand.u32 $0x7, v3;
	v4 =	vand.u32 $0xFFFFFFF0, v36  }
0x6f: {  	v3 =	vor.u32 v3, v4  }
0x70: {  	v4 =	vperm.xlane v3, v0;
	_ =	sdelay $0x1  }
0x71: {  	v3 =	vperm.xlane v3, v2;
	v4 =	vadd.s32 v1, v4;
	_ =	sdelay $0x1  }
0x72: {  	v3 =	vadd.s32 v1, v3;
	_ =	sdelay $0x2  }
0x73: {  	[tilespmem:s14], [sflag:$0x2] =	stream.indirect_vreg.gather [hbm4b:s1+s3], $0x80, v4, vm0, $0xb8;
	[tilespmem:$0x12400] =	vst v63  }
0x74: {  	_ = 	snop  }
0x75: {  	[tilespmem:s15], [sflag:$0x2] =	stream.indirect_vreg.gather [hbm4b:s1+s3], $0x80, v3, vm0, $0xb8;
	[tilespmem:$0x12400] =	vst v63  }
0x76: {  	v3 =	vld [tilespmem:$0xB0];
	_ =	sdelay $0x4  }
0x77: {  	v37 =	vshll.u32 v3, $0x1  }
0x78: {  	v3 =	vand.u32 $0x7, v3;
	v4 =	vand.u32 $0xFFFFFFF0, v37  }
0x79: {  	v3 =	vor.u32 v3, v4  }
0x7a: {  	v4 =	vperm.xlane v3, v0;
	_ =	sdelay $0x1  }
0x7b: {  	v3 =	vperm.xlane v3, v2;
	v4 =	vadd.s32 v1, v4;
	_ =	sdelay $0x1  }
0x7c: {  	v3 =	vadd.s32 v1, v3;
	_ =	sdelay $0x2  }
0x7d: {  	[tilespmem:s16], [sflag:$0x2] =	stream.indirect_vreg.gather [hbm4b:s1+s3], $0x80, v4, vm0, $0xb8;
	[tilespmem:$0x12400] =	vst v63  }
0x7e: {  	s6 =	simm.s32 $0x9C00  }
0x7f: {  	[tilespmem:s6], [sflag:$0x2] =	stream.indirect_vreg.gather [hbm4b:s1+s3], $0x80, v3, vm0, $0xb8;
	[tilespmem:$0x12400] =	vst v63  }
0x80: {  	v3 =	vld [tilespmem:$0xC0];
	_ =	sdelay $0x4  }
0x81: {  	v38 =	vshll.u32 v3, $0x1  }
0x82: {  	v3 =	vand.u32 $0x7, v3;
	v4 =	vand.u32 $0xFFFFFFF0, v38  }
0x83: {  	v3 =	vor.u32 v3, v4  }
0x84: {  	v4 =	vperm.xlane v3, v0;
	_ =	sdelay $0x1  }
0x85: {  	v3 =	vperm.xlane v3, v2;
	v4 =	vadd.s32 v1, v4;
	_ =	sdelay $0x1  }
0x86: {  	v3 =	vadd.s32 v1, v3;
	_ =	sdelay $0x1  }
0x87: {  	s23 =	simm.s32 $0xA400  }
0x88: {  	[tilespmem:s23], [sflag:$0x2] =	stream.indirect_vreg.gather [hbm4b:s1+s3], $0x80, v4, vm0, $0xb8;
	[tilespmem:$0x12400] =	vst v63  }
0x89: {  	_ = 	snop  }
0x8a: {  	[tilespmem:s18], [sflag:$0x2] =	stream.indirect_vreg.gather [hbm4b:s1+s3], $0x80, v3, vm0, $0xb8;
	[tilespmem:$0x12400] =	vst v63  }
0x8b: {  	v3 =	vld [tilespmem:$0xD0];
	_ =	sdelay $0x4  }
0x8c: {  	v39 =	vshll.u32 v3, $0x1  }
0x8d: {  	v3 =	vand.u32 $0x7, v3;
	v4 =	vand.u32 $0xFFFFFFF0, v39  }
0x8e: {  	v3 =	vor.u32 v3, v4  }
0x8f: {  	v4 =	vperm.xlane v3, v0;
	_ =	sdelay $0x1  }
0x90: {  	v3 =	vperm.xlane v3, v2;
	v4 =	vadd.s32 v1, v4;
	_ =	sdelay $0x1  }
0x91: {  	v3 =	vadd.s32 v1, v3;
	_ =	sdelay $0x2  }
0x92: {  	[tilespmem:s31], [sflag:$0x2] =	stream.indirect_vreg.gather [hbm4b:s1+s3], $0x80, v4, vm0, $0xb8;
	[tilespmem:$0x12400] =	vst v63  }
0x93: {  	s6 =	simm.s32 $0xBC00  }
0x94: {  	[tilespmem:s6], [sflag:$0x2] =	stream.indirect_vreg.gather [hbm4b:s1+s3], $0x80, v3, vm0, $0xb8;
	[tilespmem:$0x12400] =	vst v63  }
0x95: {  	_ =	swait.ge [sflag:s17], $0x6000  }
0x96: {  	[sflag:s17] =	ssyncset.done $0x0  }
0x97: {  	[sflag:s17] =	ssyncadd.s32 $0xFFFFA000  }
0x98: {  	v3 =	vld [tilespmem:$0x100];
	_ =	sdelay $0x4  }
0x99: {  	v40 =	vshll.u32 v3, $0x1  }
0x9a: {  	v3 =	vand.u32 $0x7, v3;
	v4 =	vand.u32 $0xFFFFFFF0, v40  }
0x9b: {  	v3 =	vor.u32 v3, v4  }
0x9c: {  	v4 =	vperm.xlane v3, v0;
	_ =	sdelay $0x1  }
0x9d: {  	v3 =	vperm.xlane v3, v2;
	v4 =	vadd.s32 v1, v4;
	_ =	sdelay $0x1  }
0x9e: {  	v3 =	vadd.s32 v1, v3;
	_ =	sdelay $0x1  }
0x9f: {  	s5 =	simm.s32 $0xC400  }
0xa0: {  	[tilespmem:s5], [sflag:$0x3] =	stream.indirect_vreg.gather [hbm4b:s1+s3], $0x80, v4, vm0, $0xb8;
	[tilespmem:$0x12400] =	vst v63  }
0xa1: {  	s6 =	simm.s32 $0xCC00  }
0xa2: {  	[tilespmem:s6], [sflag:$0x3] =	stream.indirect_vreg.gather [hbm4b:s1+s3], $0x80, v3, vm0, $0xb8;
	[tilespmem:$0x12400] =	vst v63  }
0xa3: {  	v3 =	vld [tilespmem:$0x110];
	_ =	sdelay $0x4  }
0xa4: {  	v41 =	vshll.u32 v3, $0x1  }
0xa5: {  	v3 =	vand.u32 $0x7, v3;
	v4 =	vand.u32 $0xFFFFFFF0, v41  }
0xa6: {  	v3 =	vor.u32 v3, v4  }
0xa7: {  	v4 =	vperm.xlane v3, v0;
	_ =	sdelay $0x1  }
0xa8: {  	v3 =	vperm.xlane v3, v2;
	v4 =	vadd.s32 v1, v4;
	_ =	sdelay $0x1  }
0xa9: {  	v3 =	vadd.s32 v1, v3;
	_ =	sdelay $0x1  }
0xaa: {  	s23 =	simm.s32 $0xD400  }
0xab: {  	[tilespmem:s23], [sflag:$0x3] =	stream.indirect_vreg.gather [hbm4b:s1+s3], $0x80, v4, vm0, $0xb8;
	[tilespmem:$0x12400] =	vst v63  }
0xac: {  	s23 =	simm.s32 $0xDC00  }
0xad: {  	[tilespmem:s23], [sflag:$0x3] =	stream.indirect_vreg.gather [hbm4b:s1+s3], $0x80, v3, vm0, $0xb8;
	[tilespmem:$0x12400] =	vst v63  }
0xae: {  	v3 =	vld [tilespmem:$0x120];
	_ =	sdelay $0x4  }
0xaf: {  	v42 =	vshll.u32 v3, $0x1  }
0xb0: {  	v3 =	vand.u32 $0x7, v3;
	v4 =	vand.u32 $0xFFFFFFF0, v42  }
0xb1: {  	v3 =	vor.u32 v3, v4  }
0xb2: {  	v4 =	vperm.xlane v3, v0;
	_ =	sdelay $0x1  }
0xb3: {  	v3 =	vperm.xlane v3, v2;
	v4 =	vadd.s32 v1, v4;
	_ =	sdelay $0x1  }
0xb4: {  	v3 =	vadd.s32 v1, v3;
	_ =	sdelay $0x1  }
0xb5: {  	s23 =	simm.s32 $0xE400  }
0xb6: {  	[tilespmem:s23], [sflag:$0x3] =	stream.indirect_vreg.gather [hbm4b:s1+s3], $0x80, v4, vm0, $0xb8;
	[tilespmem:$0x12400] =	vst v63  }
0xb7: {  	s23 =	simm.s32 $0xEC00  }
0xb8: {  	[tilespmem:s23], [sflag:$0x3] =	stream.indirect_vreg.gather [hbm4b:s1+s3], $0x80, v3, vm0, $0xb8;
	[tilespmem:$0x12400] =	vst v63  }
0xb9: {  	v3 =	vld [tilespmem:$0x130];
	_ =	sdelay $0x4  }
0xba: {  	v43 =	vshll.u32 v3, $0x1  }
0xbb: {  	v3 =	vand.u32 $0x7, v3;
	v4 =	vand.u32 $0xFFFFFFF0, v43  }
0xbc: {  	v3 =	vor.u32 v3, v4  }
0xbd: {  	v4 =	vperm.xlane v3, v0;
	_ =	sdelay $0x1  }
0xbe: {  	v3 =	vperm.xlane v3, v2;
	v4 =	vadd.s32 v1, v4;
	_ =	sdelay $0x1  }
0xbf: {  	v3 =	vadd.s32 v1, v3;
	_ =	sdelay $0x1  }
0xc0: {  	s23 =	simm.s32 $0xF400  }
0xc1: {  	[tilespmem:s23], [sflag:$0x3] =	stream.indirect_vreg.gather [hbm4b:s1+s3], $0x80, v4, vm0, $0xb8;
	[tilespmem:$0x12400] =	vst v63  }
0xc2: {  	s23 =	simm.s32 $0xFC00  }
0xc3: {  	[tilespmem:s23], [sflag:$0x3] =	stream.indirect_vreg.gather [hbm4b:s1+s3], $0x80, v3, vm0, $0xb8;
	[tilespmem:$0x12400] =	vst v63  }
0xc4: {  	v3 =	vld [tilespmem:$0x140];
	_ =	sdelay $0x4  }
0xc5: {  	v44 =	vshll.u32 v3, $0x1  }
0xc6: {  	v3 =	vand.u32 $0x7, v3;
	v4 =	vand.u32 $0xFFFFFFF0, v44  }
0xc7: {  	v3 =	vor.u32 v3, v4  }
0xc8: {  	v4 =	vperm.xlane v3, v0;
	_ =	sdelay $0x1  }
0xc9: {  	v3 =	vperm.xlane v3, v2;
	v4 =	vadd.s32 v1, v4;
	_ =	sdelay $0x1  }
0xca: {  	v3 =	vadd.s32 v1, v3;
	_ =	sdelay $0x1  }
0xcb: {  	s23 =	simm.s32 $0x10400  }
0xcc: {  	[tilespmem:s23], [sflag:$0x3] =	stream.indirect_vreg.gather [hbm4b:s1+s3], $0x80, v4, vm0, $0xb8;
	[tilespmem:$0x12400] =	vst v63  }
0xcd: {  	s23 =	simm.s32 $0x10C00  }
0xce: {  	[tilespmem:s23], [sflag:$0x3] =	stream.indirect_vreg.gather [hbm4b:s1+s3], $0x80, v3, vm0, $0xb8;
	[tilespmem:$0x12400] =	vst v63  }
0xcf: {  	v3 =	vld [tilespmem:$0x150];
	_ =	sdelay $0x4  }
0xd0: {  	v45 =	vshll.u32 v3, $0x1  }
0xd1: {  	v3 =	vand.u32 $0x7, v3;
	v4 =	vand.u32 $0xFFFFFFF0, v45  }
0xd2: {  	v3 =	vor.u32 v3, v4  }
0xd3: {  	v4 =	vperm.xlane v3, v0;
	_ =	sdelay $0x1  }
0xd4: {  	v3 =	vperm.xlane v3, v2;
	v4 =	vadd.s32 v1, v4;
	_ =	sdelay $0x1  }
0xd5: {  	v3 =	vadd.s32 v1, v3;
	_ =	sdelay $0x1  }
0xd6: {  	s23 =	simm.s32 $0x11400  }
0xd7: {  	[tilespmem:s23], [sflag:$0x3] =	stream.indirect_vreg.gather [hbm4b:s1+s3], $0x80, v4, vm0, $0xb8;
	[tilespmem:$0x12400] =	vst v63  }
0xd8: {  	s6 =	simm.s32 $0x11C00  }
0xd9: {  	[tilespmem:s6], [sflag:$0x3] =	stream.indirect_vreg.gather [hbm4b:s1+s3], $0x80, v3, vm0, $0xb8;
	[tilespmem:$0x12400] =	vst v63  }
0xda: {  	s23 =	rddreg [dreg:$0x5];
	s6 =	simm.s32 $0x400  }
0xdb: {  	[hbm4b:s23+s3] =	stream.linear.scatter [tilespmem:s6], [sflag:$0x4], $0x6000, $0x38;
	[tilespmem:$0x12400] =	vst v63  }
0xdc: {  	_ =	swait.ge [sflag:s11], $0x6000  }
0xdd: {  	[sflag:s11] =	ssyncset.done $0x0  }
0xde: {  	[sflag:s11] =	ssyncadd.s32 $0xFFFFA000  }
0xdf: {  	_ =	swait.ge [sflag:s19], $0x6000  }
0xe0: {  	[sflag:s19] =	ssyncset.done $0x0  }
0xe1: {  	[sflag:s19] =	ssyncadd.s32 $0xFFFFA000  }
0xe2: {  	v3 =	vld [tilespmem:$0x180];
	_ =	sdelay $0x4  }
0xe3: {  	v46 =	vshll.u32 v3, $0x1  }
0xe4: {  	v3 =	vand.u32 $0x7, v3;
	v4 =	vand.u32 $0xFFFFFFF0, v46  }
0xe5: {  	v3 =	vor.u32 v3, v4  }
0xe6: {  	v4 =	vperm.xlane v3, v0;
	_ =	sdelay $0x1  }
0xe7: {  	v3 =	vperm.xlane v3, v2;
	v4 =	vadd.s32 v1, v4;
	_ =	sdelay $0x1  }
0xe8: {  	v3 =	vadd.s32 v1, v3;
	_ =	sdelay $0x2  }
0xe9: {  	[tilespmem:s6], [sflag:$0x1] =	stream.indirect_vreg.gather [hbm4b:s1+s3], $0x80, v4, vm0, $0xb8;
	[tilespmem:$0x12400] =	vst v63  }
0xea: {  	_ = 	snop  }
0xeb: {  	[tilespmem:s24], [sflag:$0x1] =	stream.indirect_vreg.gather [hbm4b:s1+s3], $0x80, v3, vm0, $0xb8;
	[tilespmem:$0x12400] =	vst v63  }
0xec: {  	v3 =	vld [tilespmem:$0x190];
	_ =	sdelay $0x4  }
0xed: {  	v47 =	vshll.u32 v3, $0x1  }
0xee: {  	v3 =	vand.u32 $0x7, v3;
	v4 =	vand.u32 $0xFFFFFFF0, v47  }
0xef: {  	v3 =	vor.u32 v3, v4  }
0xf0: {  	v4 =	vperm.xlane v3, v0;
	_ =	sdelay $0x1  }
0xf1: {  	v3 =	vperm.xlane v3, v2;
	v4 =	vadd.s32 v1, v4;
	_ =	sdelay $0x1  }
0xf2: {  	v3 =	vadd.s32 v1, v3;
	_ =	sdelay $0x2  }
0xf3: {  	[tilespmem:s25], [sflag:$0x1] =	stream.indirect_vreg.gather [hbm4b:s1+s3], $0x80, v4, vm0, $0xb8;
	[tilespmem:$0x12400] =	vst v63  }
0xf4: {  	_ = 	snop  }
0xf5: {  	[tilespmem:s26], [sflag:$0x1] =	stream.indirect_vreg.gather [hbm4b:s1+s3], $0x80, v3, vm0, $0xb8;
	[tilespmem:$0x12400] =	vst v63  }
0xf6: {  	v3 =	vld [tilespmem:$0x1A0];
	_ =	sdelay $0x4  }
0xf7: {  	v48 =	vshll.u32 v3, $0x1  }
0xf8: {  	v3 =	vand.u32 $0x7, v3;
	v4 =	vand.u32 $0xFFFFFFF0, v48  }
0xf9: {  	v3 =	vor.u32 v3, v4  }
0xfa: {  	v4 =	vperm.xlane v3, v0;
	_ =	sdelay $0x1  }
0xfb: {  	v3 =	vperm.xlane v3, v2;
	v4 =	vadd.s32 v1, v4;
	_ =	sdelay $0x1  }
0xfc: {  	v3 =	vadd.s32 v1, v3;
	_ =	sdelay $0x2  }
0xfd: {  	[tilespmem:s28], [sflag:$0x1] =	stream.indirect_vreg.gather [hbm4b:s1+s3], $0x80, v4, vm0, $0xb8;
	[tilespmem:$0x12400] =	vst v63  }
0xfe: {  	_ = 	snop  }
0xff: {  	[tilespmem:s29], [sflag:$0x1] =	stream.indirect_vreg.gather [hbm4b:s1+s3], $0x80, v3, vm0, $0xb8;
	[tilespmem:$0x12400] =	vst v63  }
0x100: {  	v3 =	vld [tilespmem:$0x1B0];
	_ =	sdelay $0x4  }
0x101: {  	v49 =	vshll.u32 v3, $0x1  }
0x102: {  	v3 =	vand.u32 $0x7, v3;
	v4 =	vand.u32 $0xFFFFFFF0, v49  }
0x103: {  	v3 =	vor.u32 v3, v4  }
0x104: {  	v4 =	vperm.xlane v3, v0;
	_ =	sdelay $0x1  }
0x105: {  	v3 =	vperm.xlane v3, v2;
	v4 =	vadd.s32 v1, v4;
	_ =	sdelay $0x1  }
0x106: {  	v3 =	vadd.s32 v1, v3;
	_ =	sdelay $0x2  }
0x107: {  	[tilespmem:s30], [sflag:$0x1] =	stream.indirect_vreg.gather [hbm4b:s1+s3], $0x80, v4, vm0, $0xb8;
	[tilespmem:$0x12400] =	vst v63  }
0x108: {  	_ = 	snop  }
0x109: {  	[tilespmem:s0], [sflag:$0x1] =	stream.indirect_vreg.gather [hbm4b:s1+s3], $0x80, v3, vm0, $0xb8;
	[tilespmem:$0x12400] =	vst v63  }
0x10a: {  	v3 =	vld [tilespmem:$0x1C0];
	_ =	sdelay $0x4  }
0x10b: {  	v50 =	vshll.u32 v3, $0x1  }
0x10c: {  	v3 =	vand.u32 $0x7, v3;
	v4 =	vand.u32 $0xFFFFFFF0, v50  }
0x10d: {  	v3 =	vor.u32 v3, v4  }
0x10e: {  	v4 =	vperm.xlane v3, v0;
	_ =	sdelay $0x1  }
0x10f: {  	v3 =	vperm.xlane v3, v2;
	v4 =	vadd.s32 v1, v4;
	_ =	sdelay $0x1  }
0x110: {  	v3 =	vadd.s32 v1, v3;
	_ =	sdelay $0x2  }
0x111: {  	[tilespmem:s7], [sflag:$0x1] =	stream.indirect_vreg.gather [hbm4b:s1+s3], $0x80, v4, vm0, $0xb8;
	[tilespmem:$0x12400] =	vst v63  }
0x112: {  	_ = 	snop  }
0x113: {  	[tilespmem:s8], [sflag:$0x1] =	stream.indirect_vreg.gather [hbm4b:s1+s3], $0x80, v3, vm0, $0xb8;
	[tilespmem:$0x12400] =	vst v63  }
0x114: {  	v3 =	vld [tilespmem:$0x1D0];
	_ =	sdelay $0x4  }
0x115: {  	v51 =	vshll.u32 v3, $0x1  }
0x116: {  	v3 =	vand.u32 $0x7, v3;
	v4 =	vand.u32 $0xFFFFFFF0, v51  }
0x117: {  	v3 =	vor.u32 v3, v4  }
0x118: {  	v4 =	vperm.xlane v3, v0;
	_ =	sdelay $0x1  }
0x119: {  	v3 =	vperm.xlane v3, v2;
	v4 =	vadd.s32 v1, v4;
	_ =	sdelay $0x1  }
0x11a: {  	v3 =	vadd.s32 v1, v3;
	_ =	sdelay $0x2  }
0x11b: {  	[tilespmem:s9], [sflag:$0x1] =	stream.indirect_vreg.gather [hbm4b:s1+s3], $0x80, v4, vm0, $0xb8;
	[tilespmem:$0x12400] =	vst v63  }
0x11c: {  	_ = 	snop  }
0x11d: {  	[tilespmem:s10], [sflag:$0x1] =	stream.indirect_vreg.gather [hbm4b:s1+s3], $0x80, v3, vm0, $0xb8;
	[tilespmem:$0x12400] =	vst v63  }
0x11e: {  	s0 =	rddreg [dreg:$0x6]  }
0x11f: {  	[hbm4b:s0+s3] =	stream.linear.scatter [tilespmem:s2], [sflag:$0x5], $0x6000, $0x38;
	[tilespmem:$0x12400] =	vst v63  }
0x120: {  	_ =	swait.ge [sflag:s20], $0x6000  }
0x121: {  	[sflag:s20] =	ssyncset.done $0x0  }
0x122: {  	[sflag:s20] =	ssyncadd.s32 $0xFFFFA000  }
0x123: {  	_ =	swait.ge [sflag:s21], $0x6000  }
0x124: {  	[sflag:s21] =	ssyncset.done $0x0  }
0x125: {  	[sflag:s21] =	ssyncadd.s32 $0xFFFFA000  }
0x126: {  	v3 =	vld [tilespmem:$0x200];
	_ =	sdelay $0x4  }
0x127: {  	v52 =	vshll.u32 v3, $0x1  }
0x128: {  	v3 =	vand.u32 $0x7, v3;
	v4 =	vand.u32 $0xFFFFFFF0, v52  }
0x129: {  	v3 =	vor.u32 v3, v4  }
0x12a: {  	v4 =	vperm.xlane v3, v0;
	_ =	sdelay $0x1  }
0x12b: {  	v3 =	vperm.xlane v3, v2;
	v4 =	vadd.s32 v1, v4;
	_ =	sdelay $0x1  }
0x12c: {  	v3 =	vadd.s32 v1, v3;
	_ =	sdelay $0x2  }
0x12d: {  	[tilespmem:s2], [sflag:$0x2] =	stream.indirect_vreg.gather [hbm4b:s1+s3], $0x80, v4, vm0, $0xb8;
	[tilespmem:$0x12400] =	vst v63  }
0x12e: {  	s23 =	simm.s32 $0x6C00  }
0x12f: {  	[tilespmem:s23], [sflag:$0x2] =	stream.indirect_vreg.gather [hbm4b:s1+s3], $0x80, v3, vm0, $0xb8;
	[tilespmem:$0x12400] =	vst v63  }
0x130: {  	v3 =	vld [tilespmem:$0x210];
	_ =	sdelay $0x4  }
0x131: {  	v53 =	vshll.u32 v3, $0x1  }
0x132: {  	v3 =	vand.u32 $0x7, v3;
	v4 =	vand.u32 $0xFFFFFFF0, v53  }
0x133: {  	v3 =	vor.u32 v3, v4  }
0x134: {  	v4 =	vperm.xlane v3, v0;
	_ =	sdelay $0x1  }
0x135: {  	v3 =	vperm.xlane v3, v2;
	v4 =	vadd.s32 v1, v4;
	_ =	sdelay $0x1  }
0x136: {  	v3 =	vadd.s32 v1, v3;
	_ =	sdelay $0x2  }
0x137: {  	[tilespmem:s12], [sflag:$0x2] =	stream.indirect_vreg.gather [hbm4b:s1+s3], $0x80, v4, vm0, $0xb8;
	[tilespmem:$0x12400] =	vst v63  }
0x138: {  	_ = 	snop  }
0x139: {  	[tilespmem:s13], [sflag:$0x2] =	stream.indirect_vreg.gather [hbm4b:s1+s3], $0x80, v3, vm0, $0xb8;
	[tilespmem:$0x12400] =	vst v63  }
0x13a: {  	v3 =	vld [tilespmem:$0x220];
	_ =	sdelay $0x4  }
0x13b: {  	v54 =	vshll.u32 v3, $0x1  }
0x13c: {  	v3 =	vand.u32 $0x7, v3;
	v4 =	vand.u32 $0xFFFFFFF0, v54  }
0x13d: {  	v3 =	vor.u32 v3, v4  }
0x13e: {  	v4 =	vperm.xlane v3, v0;
	_ =	sdelay $0x1  }
0x13f: {  	v3 =	vperm.xlane v3, v2;
	v4 =	vadd.s32 v1, v4;
	_ =	sdelay $0x1  }
0x140: {  	v3 =	vadd.s32 v1, v3;
	_ =	sdelay $0x2  }
0x141: {  	[tilespmem:s14], [sflag:$0x2] =	stream.indirect_vreg.gather [hbm4b:s1+s3], $0x80, v4, vm0, $0xb8;
	[tilespmem:$0x12400] =	vst v63  }
0x142: {  	_ = 	snop  }
0x143: {  	[tilespmem:s15], [sflag:$0x2] =	stream.indirect_vreg.gather [hbm4b:s1+s3], $0x80, v3, vm0, $0xb8;
	[tilespmem:$0x12400] =	vst v63  }
0x144: {  	v3 =	vld [tilespmem:$0x230];
	_ =	sdelay $0x4  }
0x145: {  	v55 =	vshll.u32 v3, $0x1  }
0x146: {  	v3 =	vand.u32 $0x7, v3;
	v4 =	vand.u32 $0xFFFFFFF0, v55  }
0x147: {  	v3 =	vor.u32 v3, v4  }
0x148: {  	v4 =	vperm.xlane v3, v0;
	_ =	sdelay $0x1  }
0x149: {  	v3 =	vperm.xlane v3, v2;
	v4 =	vadd.s32 v1, v4;
	_ =	sdelay $0x1  }
0x14a: {  	v3 =	vadd.s32 v1, v3;
	_ =	sdelay $0x2  }
0x14b: {  	[tilespmem:s16], [sflag:$0x2] =	stream.indirect_vreg.gather [hbm4b:s1+s3], $0x80, v4, vm0, $0xb8;
	[tilespmem:$0x12400] =	vst v63  }
0x14c: {  	s23 =	simm.s32 $0x9C00  }
0x14d: {  	[tilespmem:s23], [sflag:$0x2] =	stream.indirect_vreg.gather [hbm4b:s1+s3], $0x80, v3, vm0, $0xb8;
	[tilespmem:$0x12400] =	vst v63  }
0x14e: {  	v3 =	vld [tilespmem:$0x240];
	_ =	sdelay $0x4  }
0x14f: {  	v56 =	vshll.u32 v3, $0x1  }
0x150: {  	v3 =	vand.u32 $0x7, v3;
	v4 =	vand.u32 $0xFFFFFFF0, v56  }
0x151: {  	v3 =	vor.u32 v3, v4  }
0x152: {  	v4 =	vperm.xlane v3, v0;
	_ =	sdelay $0x1  }
0x153: {  	v3 =	vperm.xlane v3, v2;
	v4 =	vadd.s32 v1, v4;
	_ =	sdelay $0x1  }
0x154: {  	v3 =	vadd.s32 v1, v3;
	_ =	sdelay $0x1  }
0x155: {  	s23 =	simm.s32 $0xA400  }
0x156: {  	[tilespmem:s23], [sflag:$0x2] =	stream.indirect_vreg.gather [hbm4b:s1+s3], $0x80, v4, vm0, $0xb8;
	[tilespmem:$0x12400] =	vst v63  }
0x157: {  	_ = 	snop  }
0x158: {  	[tilespmem:s18], [sflag:$0x2] =	stream.indirect_vreg.gather [hbm4b:s1+s3], $0x80, v3, vm0, $0xb8;
	[tilespmem:$0x12400] =	vst v63  }
0x159: {  	v3 =	vld [tilespmem:$0x250];
	_ =	sdelay $0x4  }
0x15a: {  	v57 =	vshll.u32 v3, $0x1  }
0x15b: {  	v3 =	vand.u32 $0x7, v3;
	v4 =	vand.u32 $0xFFFFFFF0, v57  }
0x15c: {  	v3 =	vor.u32 v3, v4  }
0x15d: {  	v4 =	vperm.xlane v3, v0;
	_ =	sdelay $0x1  }
0x15e: {  	v3 =	vperm.xlane v3, v2;
	v4 =	vadd.s32 v1, v4;
	_ =	sdelay $0x1  }
0x15f: {  	v3 =	vadd.s32 v1, v3;
	_ =	sdelay $0x2  }
0x160: {  	[tilespmem:s31], [sflag:$0x2] =	stream.indirect_vreg.gather [hbm4b:s1+s3], $0x80, v4, vm0, $0xb8;
	[tilespmem:$0x12400] =	vst v63  }
0x161: {  	s0 =	simm.s32 $0xBC00  }
0x162: {  	[tilespmem:s0], [sflag:$0x2] =	stream.indirect_vreg.gather [hbm4b:s1+s3], $0x80, v3, vm0, $0xb8;
	[tilespmem:$0x12400] =	vst v63  }
0x163: {  	s23 =	rddreg [dreg:$0x7]  }
0x164: {  	[hbm4b:s23+s3] =	stream.linear.scatter [tilespmem:s5], [sflag:$0x6], $0x6000, $0x38;
	[tilespmem:$0x12400] =	vst v63  }
0x165: {  	_ =	swait.ge [sflag:s17], $0x6000  }
0x166: {  	[sflag:s17] =	ssyncset.done $0x0  }
0x167: {  	[sflag:s17] =	ssyncadd.s32 $0xFFFFA000  }
0x168: {  	_ =	swait.ge [sflag:s22], $0x6000  }
0x169: {  	[sflag:s22] =	ssyncset.done $0x0  }
0x16a: {  	[sflag:s22] =	ssyncadd.s32 $0xFFFFA000  }
0x16b: {  	v3 =	vld [tilespmem:$0x280];
	_ =	sdelay $0x4  }
0x16c: {  	v58 =	vshll.u32 v3, $0x1  }
0x16d: {  	v3 =	vand.u32 $0x7, v3;
	v4 =	vand.u32 $0xFFFFFFF0, v58  }
0x16e: {  	v3 =	vor.u32 v3, v4  }
0x16f: {  	v4 =	vperm.xlane v3, v0;
	_ =	sdelay $0x1  }
0x170: {  	v3 =	vperm.xlane v3, v2;
	v4 =	vadd.s32 v1, v4;
	_ =	sdelay $0x1  }
0x171: {  	v3 =	vadd.s32 v1, v3;
	_ =	sdelay $0x2  }
0x172: {  	[tilespmem:s5], [sflag:$0x3] =	stream.indirect_vreg.gather [hbm4b:s1+s3], $0x80, v4, vm0, $0xb8;
	[tilespmem:$0x12400] =	vst v63  }
0x173: {  	s23 =	simm.s32 $0xCC00  }
0x174: {  	[tilespmem:s23], [sflag:$0x3] =	stream.indirect_vreg.gather [hbm4b:s1+s3], $0x80, v3, vm0, $0xb8;
	[tilespmem:$0x12400] =	vst v63  }
0x175: {  	v3 =	vld [tilespmem:$0x290];
	_ =	sdelay $0x4  }
0x176: {  	v59 =	vshll.u32 v3, $0x1  }
0x177: {  	v3 =	vand.u32 $0x7, v3;
	v4 =	vand.u32 $0xFFFFFFF0, v59  }
0x178: {  	v3 =	vor.u32 v3, v4  }
0x179: {  	v4 =	vperm.xlane v3, v0;
	_ =	sdelay $0x1  }
0x17a: {  	v3 =	vperm.xlane v3, v2;
	v4 =	vadd.s32 v1, v4;
	_ =	sdelay $0x1  }
0x17b: {  	v3 =	vadd.s32 v1, v3;
	_ =	sdelay $0x1  }
0x17c: {  	s23 =	simm.s32 $0xD400  }
0x17d: {  	[tilespmem:s23], [sflag:$0x3] =	stream.indirect_vreg.gather [hbm4b:s1+s3], $0x80, v4, vm0, $0xb8;
	[tilespmem:$0x12400] =	vst v63  }
0x17e: {  	s23 =	simm.s32 $0xDC00  }
0x17f: {  	[tilespmem:s23], [sflag:$0x3] =	stream.indirect_vreg.gather [hbm4b:s1+s3], $0x80, v3, vm0, $0xb8;
	[tilespmem:$0x12400] =	vst v63  }
0x180: {  	v3 =	vld [tilespmem:$0x2A0];
	_ =	sdelay $0x4  }
0x181: {  	v60 =	vshll.u32 v3, $0x1  }
0x182: {  	v3 =	vand.u32 $0x7, v3;
	v4 =	vand.u32 $0xFFFFFFF0, v60  }
0x183: {  	v3 =	vor.u32 v3, v4  }
0x184: {  	v4 =	vperm.xlane v3, v0;
	_ =	sdelay $0x1  }
0x185: {  	v3 =	vperm.xlane v3, v2;
	v4 =	vadd.s32 v1, v4;
	_ =	sdelay $0x1  }
0x186: {  	v3 =	vadd.s32 v1, v3;
	_ =	sdelay $0x1  }
0x187: {  	s23 =	simm.s32 $0xE400  }
0x188: {  	[tilespmem:s23], [sflag:$0x3] =	stream.indirect_vreg.gather [hbm4b:s1+s3], $0x80, v4, vm0, $0xb8;
	[tilespmem:$0x12400] =	vst v63  }
0x189: {  	s23 =	simm.s32 $0xEC00  }
0x18a: {  	[tilespmem:s23], [sflag:$0x3] =	stream.indirect_vreg.gather [hbm4b:s1+s3], $0x80, v3, vm0, $0xb8;
	[tilespmem:$0x12400] =	vst v63  }
0x18b: {  	v3 =	vld [tilespmem:$0x2B0];
	_ =	sdelay $0x4  }
0x18c: {  	v61 =	vshll.u32 v3, $0x1  }
0x18d: {  	v3 =	vand.u32 $0x7, v3;
	v4 =	vand.u32 $0xFFFFFFF0, v61  }
0x18e: {  	v3 =	vor.u32 v3, v4  }
0x18f: {  	v4 =	vperm.xlane v3, v0;
	_ =	sdelay $0x1  }
0x190: {  	v3 =	vperm.xlane v3, v2;
	v4 =	vadd.s32 v1, v4;
	_ =	sdelay $0x1  }
0x191: {  	v3 =	vadd.s32 v1, v3;
	_ =	sdelay $0x1  }
0x192: {  	s23 =	simm.s32 $0xF400  }
0x193: {  	[tilespmem:s23], [sflag:$0x3] =	stream.indirect_vreg.gather [hbm4b:s1+s3], $0x80, v4, vm0, $0xb8;
	[tilespmem:$0x12400] =	vst v63  }
0x194: {  	s23 =	simm.s32 $0xFC00  }
0x195: {  	[tilespmem:s23], [sflag:$0x3] =	stream.indirect_vreg.gather [hbm4b:s1+s3], $0x80, v3, vm0, $0xb8;
	[tilespmem:$0x12400] =	vst v63  }
0x196: {  	v3 =	vld [tilespmem:$0x2C0];
	_ =	sdelay $0x4  }
0x197: {  	v62 =	vshll.u32 v3, $0x1  }
0x198: {  	v3 =	vand.u32 $0x7, v3;
	v4 =	vand.u32 $0xFFFFFFF0, v62  }
0x199: {  	v3 =	vor.u32 v3, v4  }
0x19a: {  	v4 =	vperm.xlane v3, v0;
	_ =	sdelay $0x1  }
0x19b: {  	v3 =	vperm.xlane v3, v2;
	v4 =	vadd.s32 v1, v4;
	_ =	sdelay $0x1  }
0x19c: {  	v3 =	vadd.s32 v1, v3;
	_ =	sdelay $0x1  }
0x19d: {  	s23 =	simm.s32 $0x10400  }
0x19e: {  	[tilespmem:s23], [sflag:$0x3] =	stream.indirect_vreg.gather [hbm4b:s1+s3], $0x80, v4, vm0, $0xb8;
	[tilespmem:$0x12400] =	vst v63  }
0x19f: {  	s23 =	simm.s32 $0x10C00  }
0x1a0: {  	[tilespmem:s23], [sflag:$0x3] =	stream.indirect_vreg.gather [hbm4b:s1+s3], $0x80, v3, vm0, $0xb8;
	[tilespmem:$0x12400] =	vst v63  }
0x1a1: {  	v3 =	vld [tilespmem:$0x2D0];
	_ =	sdelay $0x4  }
0x1a2: {  	v63 =	vshll.u32 v3, $0x1  }
0x1a3: {  	v3 =	vand.u32 $0x7, v3;
	v4 =	vand.u32 $0xFFFFFFF0, v63  }
0x1a4: {  	v3 =	vor.u32 v3, v4  }
0x1a5: {  	v4 =	vperm.xlane v3, v0;
	_ =	sdelay $0x1  }
0x1a6: {  	v3 =	vperm.xlane v3, v2;
	v4 =	vadd.s32 v1, v4;
	_ =	sdelay $0x1  }
0x1a7: {  	v3 =	vadd.s32 v1, v3;
	_ =	sdelay $0x1  }
0x1a8: {  	s23 =	simm.s32 $0x11400  }
0x1a9: {  	[tilespmem:s23], [sflag:$0x3] =	stream.indirect_vreg.gather [hbm4b:s1+s3], $0x80, v4, vm0, $0xb8;
	[tilespmem:$0x12400] =	vst v63  }
0x1aa: {  	s0 =	simm.s32 $0x11C00  }
0x1ab: {  	[tilespmem:s0], [sflag:$0x3] =	stream.indirect_vreg.gather [hbm4b:s1+s3], $0x80, v3, vm0, $0xb8;
	[tilespmem:$0x12400] =	vst v63  }
0x1ac: {  	s6 =	simm.s32 $0x400;
	s23 =	rddreg [dreg:$0x8]  }
0x1ad: {  	[hbm4b:s23+s3] =	stream.linear.scatter [tilespmem:s6], [sflag:$0x4], $0x6000, $0x38;
	[tilespmem:$0x12400] =	vst v63  }
0x1ae: {  	_ =	swait.ge [sflag:s11], $0x6000  }
0x1af: {  	[sflag:s11] =	ssyncset.done $0x0  }
0x1b0: {  	s0 =	rddreg [dreg:$0x9];
	[sflag:s11] =	ssyncadd.s32 $0xFFFFA000  }
0x1b1: {  	[hbm4b:s0+s3] =	stream.linear.scatter [tilespmem:s2], [sflag:$0x5], $0x6000, $0x38;
	[tilespmem:$0x12400] =	vst v63  }
0x1b2: {  	_ =	swait.ge [sflag:s20], $0x6000  }
0x1b3: {  	[sflag:s20] =	ssyncset.done $0x0  }
0x1b4: {  	s6 =	rddreg [dreg:$0xa];
	[sflag:s20] =	ssyncadd.s32 $0xFFFFA000  }
0x1b5: {  	[hbm4b:s6+s3] =	stream.linear.scatter [tilespmem:s5], [sflag:$0x6], $0x6000, $0x38;
	[tilespmem:$0x12400] =	vst v63  }
0x1b6: {  	_ =	swait.ge [sflag:s19], $0x6000  }
0x1b7: {  	[sflag:s19] =	ssyncset.done $0x0  }
0x1b8: {  	[sflag:s19] =	ssyncadd.s32 $0xFFFFA000  }
0x1b9: {  	p0 =	sne.s32 s4, $0x1;
	_ =	swait.ge [sflag:s21], $0x6000  }
.Ltmp0:
0x1ba: {  	[sflag:s21] =	ssyncset.done $0x0;
	(pc) =	sbr.rel @p0 .LBB2_1-.Ltmp0, $4  }
0x1bb: {  	[sflag:s21] =	ssyncadd.s32 $0xFFFFA000  }
0x1bc: {  	_ =	swait.ge [sflag:s22], $0x6000  }
0x1bd: {  	[sflag:s22] =	ssyncset.done $0x0  }
0x1be: {  	s4 =	sadd.s32 $0xFFFFFFFF, s4;
	[sflag:s22] =	ssyncadd.s32 $0xFFFFA000  }
0x1bf: {  	_ =	sfence.sel $0x180000  }
0x1c0: {  	[bflag:$0x0] =	sbarrier.arrive $0xFFFF  }
0x1c1: {  	_ =	strace $0x90000047  }
0x1c2: {  	s0 =	stileid.u32;
	[bflag:$0x2] =	sbarrier.arrive $0xFFFF  }
0x1c3: {  	p0 =	sne.s32 s0, $0x0;
	s0 =	rddreg [dreg:$0x3]  }
0x1c4: {  	s0 =	sadd.s32 @!p0 $0x100000, s0  }
0x1c5: {  	[sflag:s0] =	ssyncadd.tile.s32 @!p0 $0x1;
	_ =	shalt  }
.Lfunc_end2:
_tile_overlayer_lowered:
.L_overlay_start_2:
0x1c6: {  	(tag) =	ssettag $0x2  }
0x1c7: {  	s0 =	rddreg [dreg:$0x0];
	s2 =	stileid.u32  }
0x1c8: {  	s1 =	rddreg [dreg:$0x1];
	p0 =	sne.s32 s2, $0x0  }
0x1c9: {  	s3 =	rddreg [dreg:$0x2];
	[bflag:$0x3] =	sbarrier.arrive $0xFFFF;
	s2 =	simm.s32 @!p0 $0x1C07  }
0x1ca: {  	[timem:s3], [sflag:s2] =	dma.local @!p0 [hbm:s0], s1  }
0x1cb: {  	s0 =	simm.s32 @!p0 $0x7  }
0x1cc: {  	_ =	swait.ge @!p0 [sflag:s0], s1  }
0x1cd: {  	s1 =	ssub.s32 @!p0 $0x0, s1;
	[sflag:s0] =	ssyncset.done @!p0 $0x0  }
0x1ce: {  	[sflag:s0] =	ssyncadd.s32 @!p0 s1  }
0x1cf: {  	[bflag:$0x3] =	sbarrier.arrive $0xFFFF  }
0x1d0: {  	_ =	shalt  }

</sc_bundles>
